<compile_context>
chip_gen: v7x
topology: tpu7x:2x2x1
jax: 0.10.2.dev20260603
libtpu: 0.0.44.dev20260713+nightly
codegen_flags: <defaults>
</compile_context>

<pallas_src>
import functools

import jax
import jax.numpy as jnp
from jax import lax
from jax.experimental import pallas as pl
from jax.experimental.pallas import tpu as pltpu
from jax.experimental.pallas import tpu_sc as plsc

NC = 2
NS = 16
K = 80


def _sc_rows(table, src2, dst3, npad, width, k):
    K = k
    ept = src2.shape[1]
    n_chunks = ept // K
    rows_per_tile = npad // NS
    zeros_tab = jnp.zeros((npad, width), jnp.float32)

    mesh = plsc.VectorSubcoreMesh(core_axis_name="c", subcore_axis_name="s",
                                  num_cores=NC, num_subcores=NS)

    @functools.partial(
        pl.kernel,
        out_type=jax.ShapeDtypeStruct((NC, npad, width), jnp.float32),
        mesh=mesh,
        scratch_types=(
            pltpu.VMEM((ept,), jnp.int32),
            pltpu.VMEM((n_chunks, K), jnp.int32),
            pltpu.VMEM((K, width), jnp.float32),
            pltpu.VMEM((K, width), jnp.float32),
            pltpu.VMEM_SHARED((npad, width), jnp.float32),
            pltpu.SemaphoreType.DMA,
            pltpu.SemaphoreType.DMA,
        ),
        compiler_params=pltpu.CompilerParams(
            use_tc_tiling_on_sc=(width % 128 == 0)),
    )
    def agg(table_hbm, src2_hbm, dst3_hbm, ztab_hbm, out_hbm,
            src_v, dst_v, rows0, rows1, acc_s, sem0, sem1):
        c = lax.axis_index("c")
        s = lax.axis_index("s")
        wid = c * NS + s
        base = s * rows_per_tile

        pltpu.sync_copy(src2_hbm.at[wid], src_v)
        pltpu.sync_copy(dst3_hbm.at[wid], dst_v)
        pltpu.sync_copy(ztab_hbm.at[pl.ds(base, rows_per_tile)],
                        acc_s.at[pl.ds(base, rows_per_tile)])
        plsc.subcore_barrier()

        def start_g(i, buf, sem):
            pltpu.async_copy(table_hbm.at[src_v.at[pl.ds(i * K, K)]], buf, sem)

        def wait_g(i, buf, sem):
            pltpu.make_async_copy(
                table_hbm.at[src_v.at[pl.ds(i * K, K)]], buf, sem).wait()

        def scat(i, buf):
            pltpu.sync_copy(buf, acc_s.at[dst_v.at[i]], add=True)

        start_g(0, rows0, sem0)

        @pl.loop(0, n_chunks - 1, step=2)
        def _(i):
            start_g(i + 1, rows1, sem1)
            wait_g(i, rows0, sem0)
            scat(i, rows0)
            start_g(i + 2, rows0, sem0)
            wait_g(i + 1, rows1, sem1)
            scat(i + 1, rows1)

        wait_g(n_chunks - 1, rows0, sem0)
        scat(n_chunks - 1, rows0)

        plsc.subcore_barrier()
        pltpu.sync_copy(acc_s.at[pl.ds(base, rows_per_tile)],
                        out_hbm.at[c, pl.ds(base, rows_per_tile)])

    return agg(table, src2, dst3, zeros_tab)


def _sc_deg(dst2, npad):
    ept = dst2.shape[1]

    mesh = plsc.VectorSubcoreMesh(core_axis_name="c", subcore_axis_name="s",
                                  num_cores=NC, num_subcores=NS)

    @functools.partial(
        pl.kernel,
        out_type=jax.ShapeDtypeStruct((NC * NS, npad), jnp.float32),
        mesh=mesh,
        scratch_types=(
            pltpu.VMEM((ept,), jnp.int32),
            pltpu.VMEM((npad,), jnp.float32),
        ),
        compiler_params=pltpu.CompilerParams(needs_layout_passes=False),
    )
    def degk(dst2_hbm, out_hbm, dst_v, hist_v):
        c = lax.axis_index("c")
        s = lax.axis_index("s")
        wid = c * NS + s
        zero16 = jnp.zeros((16,), jnp.float32)
        one16 = jnp.ones((16,), jnp.float32)

        pltpu.sync_copy(dst2_hbm.at[wid], dst_v)

        @pl.loop(0, npad // 16)
        def _(i):
            hist_v[pl.ds(i * 16, 16)] = zero16

        @pl.loop(0, ept // 16)
        def _(i):
            idx = dst_v[pl.ds(i * 16, 16)]
            plsc.addupdate_scatter(hist_v, [idx], one16)

        pltpu.sync_copy(hist_v, out_hbm.at[wid])

    return degk(dst2)


def _tc_layer1(x, p, hist, ws1, wn1, b1, ws2p, wn2p, b2p, block_rows):
    n, d = x.shape
    wpad = ws2p.shape[1]

    def body(x_ref, p_ref, h_ref, ws1_ref, wn1_ref, b1_ref, ws2_ref,
             wn2_ref, b2_ref, hs_ref, hp_ref, rdeg_ref):
        deg = jnp.sum(h_ref[...], axis=0, keepdims=True)
        rdeg = (1.0 / jnp.maximum(deg, 1.0)).T
        rdeg_ref[...] = rdeg
        mean = (p_ref[0] + p_ref[1]) * rdeg
        h = jnp.dot(x_ref[...], ws1_ref[...], preferred_element_type=jnp.float32)
        h += jnp.dot(mean, wn1_ref[...], preferred_element_type=jnp.float32)
        h = jnp.maximum(h + b1_ref[...], 0.0)
        hs_ref[...] = (
            jnp.dot(h, ws2_ref[...], preferred_element_type=jnp.float32)
            + b2_ref[...]
        )
        hp_ref[...] = jnp.dot(h, wn2_ref[...], preferred_element_type=jnp.float32)

    grid = (n // block_rows,)
    return pl.pallas_call(
        body,
        grid=grid,
        in_specs=[
            pl.BlockSpec((block_rows, d), lambda i: (i, 0)),
            pl.BlockSpec((NC, block_rows, d), lambda i: (0, i, 0)),
            pl.BlockSpec((NC * NS, block_rows), lambda i: (0, i)),
            pl.BlockSpec(ws1.shape, lambda i: (0, 0)),
            pl.BlockSpec(wn1.shape, lambda i: (0, 0)),
            pl.BlockSpec(b1.shape, lambda i: (0, 0)),
            pl.BlockSpec(ws2p.shape, lambda i: (0, 0)),
            pl.BlockSpec(wn2p.shape, lambda i: (0, 0)),
            pl.BlockSpec(b2p.shape, lambda i: (0, 0)),
        ],
        out_specs=[
            pl.BlockSpec((block_rows, wpad), lambda i: (i, 0)),
            pl.BlockSpec((block_rows, wpad), lambda i: (i, 0)),
            pl.BlockSpec((block_rows, 1), lambda i: (i, 0)),
        ],
        out_shape=[
            jax.ShapeDtypeStruct((n, wpad), jnp.float32),
            jax.ShapeDtypeStruct((n, wpad), jnp.float32),
            jax.ShapeDtypeStruct((n, 1), jnp.float32),
        ],
    )(x, p, hist, ws1, wn1, b1, ws2p, wn2p, b2p)


def _tc_layer2(hs, q, rdeg, block_rows):
    n, wpad = hs.shape

    def body(hs_ref, q_ref, rdeg_ref, out_ref):
        out_ref[...] = hs_ref[...] + (q_ref[0] + q_ref[1]) * rdeg_ref[...]

    grid = (n // block_rows,)
    return pl.pallas_call(
        body,
        grid=grid,
        in_specs=[
            pl.BlockSpec((block_rows, wpad), lambda i: (i, 0)),
            pl.BlockSpec((NC, block_rows, wpad), lambda i: (0, i, 0)),
            pl.BlockSpec((block_rows, 1), lambda i: (i, 0)),
        ],
        out_specs=pl.BlockSpec((block_rows, wpad), lambda i: (i, 0)),
        out_shape=jax.ShapeDtypeStruct((n, wpad), jnp.float32),
    )(hs, q, rdeg)


def kernel(features, edge_index, W_self1, W_neigh1, b1, W_self2, W_neigh2, b2):
    n, d = features.shape
    c = W_self2.shape[1]
    wpad = 48
    npad = ((n + 2047) // 2048) * 2048

    src = edge_index[0]
    dst = edge_index[1]

    ws2p = jnp.pad(W_self2, ((0, 0), (0, wpad - c)))
    wn2p = jnp.pad(W_neigh2, ((0, 0), (0, wpad - c)))
    b1r = b1.reshape(1, -1)
    b2p = jnp.pad(b2, (0, wpad - c)).reshape(1, -1)

    ept = src.shape[0] // (NC * NS)
    dst2 = dst.reshape(NC * NS, ept)

    def pad_edges(k):
        eptp = ((ept + k - 1) // k) * k
        pad = eptp - ept
        s2 = src.reshape(NC * NS, ept)
        d2 = dst2
        if pad:
            s2 = jnp.pad(s2, ((0, 0), (0, pad)))
            d2 = jnp.pad(d2, ((0, 0), (0, pad)), constant_values=npad - 1)
        return s2, d2.reshape(NC * NS, eptp // k, k)

    src2, dst3 = pad_edges(K)

    p = _sc_rows(features, src2, dst3, npad, d, K)
    hist = _sc_deg(dst2, npad)
    xpad = jnp.pad(features, ((0, npad - n), (0, 0)))
    hs, hp, rdeg = _tc_layer1(xpad, p, hist, W_self1,
                              W_neigh1, b1r, ws2p, wn2p, b2p, block_rows=npad)
    q = _sc_rows(hp, src2, dst3, npad, wpad, K)
    out = _tc_layer2(hs, q, rdeg, block_rows=npad)
    return out[:n, :c]

# --- scband reference (transcript-rebuilt; emitter-appended) ---
"""Pipeline reference for scband-graph-sagemodel-24532853194853 (READ-ONLY COPY).

The authoritative reference and input builder live on the scoring server;
editing this copy changes nothing except your own understanding.
"""

import jax, jax.numpy as jnp
import numpy as np

N = 10000
E = 320000
D = 128
H = 128
C = 40


def setup_inputs(seed: int = 0) -> dict:
    key = jax.random.key(seed)
    ks = jax.random.split(key, 9)
    features = jax.random.normal(ks[0], (N, D), dtype=jnp.float32)
    edge_index = jax.random.randint(ks[1], (2, E), 0, N, dtype=jnp.int32)
    W_self1 = jax.random.normal(ks[2], (D, H), dtype=jnp.float32) / np.sqrt(D)
    W_neigh1 = jax.random.normal(ks[3], (D, H), dtype=jnp.float32) / np.sqrt(D)
    b1 = jnp.zeros((H,), dtype=jnp.float32)
    W_self2 = jax.random.normal(ks[4], (H, C), dtype=jnp.float32) / np.sqrt(H)
    W_neigh2 = jax.random.normal(ks[5], (H, C), dtype=jnp.float32) / np.sqrt(H)
    b2 = jnp.zeros((C,), dtype=jnp.float32)
    return {
        "features": features,
        "edge_index": edge_index,
        "W_self1": W_self1,
        "W_neigh1": W_neigh1,
        "b1": b1,
        "W_self2": W_self2,
        "W_neigh2": W_neigh2,
        "b2": b2,
    }


def _sage_mean_layer(x, src, dst, W_self, W_neigh, b):
    # DGL SAGEConv(aggregator_type='mean'): rst = fc_self(h) + fc_neigh(mean_{u in N(v)} h_u) + bias
    msg = jnp.take(x, src, axis=0)
    agg = jax.ops.segment_sum(msg, dst, num_segments=N)
    deg = jax.ops.segment_sum(jnp.ones((src.shape[0],), dtype=x.dtype), dst, num_segments=N)
    mean_neigh = agg / jnp.clip(deg, 1.0)[:, None]
    return x @ W_self + mean_neigh @ W_neigh + b


def reference(features, edge_index, W_self1, W_neigh1, b1, W_self2, W_neigh2, b2):
    src = edge_index[0]
    dst = edge_index[1]
    h = _sage_mean_layer(features, src, dst, W_self1, W_neigh1, b1)
    h = jax.nn.relu(h)
    out = _sage_mean_layer(h, src, dst, W_self2, W_neigh2, b2)
    return out

if __name__ == "__main__":
    import jax
    _d = setup_inputs()
    print(jax.jit(kernel)(*tuple(_d.values())))

</pallas_src>

<mosaic_0001>
#map = affine_map<(d0, d1) -> (0, 0)>
module attributes {stable_mosaic.version = 14 : i64} {
  func.func @degk(%arg0: i32, %arg1: i32, %arg2: memref<32x10000xi32, #tpu.memory_space<hbm>>, %arg3: memref<32x10240xf32, #tpu.memory_space<hbm>>, %arg4: memref<10000xi32, #tpu.memory_space<vmem>>, %arg5: memref<10240xf32, #tpu.memory_space<vmem>>) attributes {dimension_semantics = [#tpu.dimension_semantics<core_parallel>, #tpu.dimension_semantics<subcore_parallel>], iteration_bounds = array<i64: 2, 16>, scalar_prefetch = 0 : i64, scratch_operands = 2 : i64, tpu.core_type = #tpu.core_type<sc_vector_subcore>, window_params = [{transform_indices = #map}, {transform_indices = #map}]} {
    %mul3A = arith.constant 16 : i32
    %mul3A_0 = arith.muli %arg0, %mul3A : i32
    %add3A = arith.addi %mul3A_0, %arg1 : i32
    %broadcast_in_dim3A = arith.constant 0.000000e+00 : f32
    %broadcast_in_dim3A_1 = vector.broadcast %broadcast_in_dim3A : f32 to vector<16xf32>
    %broadcast_in_dim3A_2 = arith.constant 1.000000e+00 : f32
    %broadcast_in_dim3A_3 = vector.broadcast %broadcast_in_dim3A_2 : f32 to vector<16xf32>
    "tpu.region"() ({
      %run_scoped3A = tpu.sem_alloc : memref<!tpu.dma_semaphore, #tpu.memory_space<semaphore_mem>>
      %dma_start3A = arith.constant 0 : i32
      %dma_start3A_13 = tpu.memref_slice %arg2[%add3A, %dma_start3A] : memref<32x10000xi32, #tpu.memory_space<hbm>> -> memref<1x10000xi32, #tpu.memory_space<hbm>>
      %dma_start3A_14 = tpu.memref_squeeze %dma_start3A_13 : memref<1x10000xi32, #tpu.memory_space<hbm>> -> memref<10000xi32, #tpu.memory_space<hbm>>
      %dma_start3A_15 = arith.constant 0 : i32
      %dma_start3A_16 = tpu.memref_slice %arg2[%add3A, %dma_start3A_15] : memref<32x10000xi32, #tpu.memory_space<hbm>> -> memref<1x10000xi32, #tpu.memory_space<hbm>>
      %dma_start3A_17 = tpu.memref_squeeze %dma_start3A_16 : memref<1x10000xi32, #tpu.memory_space<hbm>> -> memref<10000xi32, #tpu.memory_space<hbm>>
      tpu.enqueue_dma source(%dma_start3A_17 : memref<10000xi32, #tpu.memory_space<hbm>>) target(%arg4 : memref<10000xi32, #tpu.memory_space<vmem>>) target_semaphore(%run_scoped3A : memref<!tpu.dma_semaphore, #tpu.memory_space<semaphore_mem>>)
      %dma_wait3A = arith.constant 0 : i32
      %dma_wait3A_18 = tpu.memref_slice %arg2[%add3A, %dma_wait3A] : memref<32x10000xi32, #tpu.memory_space<hbm>> -> memref<1x10000xi32, #tpu.memory_space<hbm>>
      %dma_wait3A_19 = tpu.memref_squeeze %dma_wait3A_18 : memref<1x10000xi32, #tpu.memory_space<hbm>> -> memref<10000xi32, #tpu.memory_space<hbm>>
      %dma_wait3A_20 = arith.constant 0 : i32
      %dma_wait3A_21 = tpu.memref_slice %arg2[%add3A, %dma_wait3A_20] : memref<32x10000xi32, #tpu.memory_space<hbm>> -> memref<1x10000xi32, #tpu.memory_space<hbm>>
      %dma_wait3A_22 = tpu.memref_squeeze %dma_wait3A_21 : memref<1x10000xi32, #tpu.memory_space<hbm>> -> memref<10000xi32, #tpu.memory_space<hbm>>
      tpu.wait_dma2 semaphore(%run_scoped3A : memref<!tpu.dma_semaphore, #tpu.memory_space<semaphore_mem>>) src(%dma_wait3A_22 : memref<10000xi32, #tpu.memory_space<hbm>>) dst(%arg4 : memref<10000xi32, #tpu.memory_space<vmem>>)
      tpu.yield
    }) : () -> ()
    %scan3A = arith.constant 0 : i32
    %scan3A_4 = arith.constant 640 : i32
    %scan3A_5 = arith.addi %scan3A, %scan3A_4 : i32
    %scan3A_6 = arith.constant 1 : i32
    scf.for %scan3A_13 = %scan3A to %scan3A_5 step %scan3A_6  : i32 {
      %mul3A_14 = arith.constant 1 : i32
      %mul3A_15 = arith.muli %scan3A_13, %mul3A_14 : i32
      %add3A_16 = arith.constant 0 : i32
      %add3A_17 = arith.addi %add3A_16, %mul3A_15 : i32
      %mul3A_18 = arith.constant 16 : i32
      %mul3A_19 = arith.muli %add3A_17, %mul3A_18 : i32
      %swap3A = arith.index_cast %mul3A_19 : i32 to index
      %swap3A_20 = tpu.vector_load %arg5[%swap3A] {strides = array<i32>} : memref<10240xf32, #tpu.memory_space<vmem>>, vector<16xf32>,
      tpu.vector_store %arg5[%swap3A], %broadcast_in_dim3A_1 {strides = array<i32>} : memref<10240xf32, #tpu.memory_space<vmem>>, vector<16xf32>,
    }
    %scan3A_7 = arith.constant 640 : i32
    %scan3A_8 = arith.constant 0 : i32
    %scan3A_9 = arith.constant 625 : i32
    %scan3A_10 = arith.addi %scan3A_8, %scan3A_9 : i32
    %scan3A_11 = arith.constant 1 : i32
    scf.for %scan3A_13 = %scan3A_8 to %scan3A_10 step %scan3A_11  : i32 {
      %mul3A_14 = arith.constant 1 : i32
      %mul3A_15 = arith.muli %scan3A_13, %mul3A_14 : i32
      %add3A_16 = arith.constant 0 : i32
      %add3A_17 = arith.addi %add3A_16, %mul3A_15 : i32
      %mul3A_18 = arith.constant 16 : i32
      %mul3A_19 = arith.muli %add3A_17, %mul3A_18 : i32
      %get3A = arith.index_cast %mul3A_19 : i32 to index
      %get3A_20 = tpu.vector_load %arg4[%get3A] {strides = array<i32>} : memref<10000xi32, #tpu.memory_space<vmem>>, vector<16xi32>,
      tpu.vector_store_idx %arg5[%get3A_20], %broadcast_in_dim3A_3 {add = true} : memref<10240xf32, #tpu.memory_space<vmem>>[vector<16xi32>], vector<16xf32>,
    }
    %scan3A_12 = arith.constant 625 : i32
    "tpu.region"() ({
      %run_scoped3A = tpu.sem_alloc : memref<!tpu.dma_semaphore, #tpu.memory_space<semaphore_mem>>
      %dma_start3A = arith.constant 0 : i32
      %dma_start3A_13 = tpu.memref_slice %arg3[%add3A, %dma_start3A] : memref<32x10240xf32, #tpu.memory_space<hbm>> -> memref<1x10240xf32, #tpu.memory_space<hbm>>
      %dma_start3A_14 = tpu.memref_squeeze %dma_start3A_13 : memref<1x10240xf32, #tpu.memory_space<hbm>> -> memref<10240xf32, #tpu.memory_space<hbm>>
      %dma_start3A_15 = arith.constant 0 : i32
      %dma_start3A_16 = tpu.memref_slice %arg3[%add3A, %dma_start3A_15] : memref<32x10240xf32, #tpu.memory_space<hbm>> -> memref<1x10240xf32, #tpu.memory_space<hbm>>
      %dma_start3A_17 = tpu.memref_squeeze %dma_start3A_16 : memref<1x10240xf32, #tpu.memory_space<hbm>> -> memref<10240xf32, #tpu.memory_space<hbm>>
      tpu.enqueue_dma source(%arg5 : memref<10240xf32, #tpu.memory_space<vmem>>) target(%dma_start3A_17 : memref<10240xf32, #tpu.memory_space<hbm>>) target_semaphore(%run_scoped3A : memref<!tpu.dma_semaphore, #tpu.memory_space<semaphore_mem>>)
      %dma_wait3A = arith.constant 0 : i32
      %dma_wait3A_18 = tpu.memref_slice %arg3[%add3A, %dma_wait3A] : memref<32x10240xf32, #tpu.memory_space<hbm>> -> memref<1x10240xf32, #tpu.memory_space<hbm>>
      %dma_wait3A_19 = tpu.memref_squeeze %dma_wait3A_18 : memref<1x10240xf32, #tpu.memory_space<hbm>> -> memref<10240xf32, #tpu.memory_space<hbm>>
      %dma_wait3A_20 = arith.constant 0 : i32
      %dma_wait3A_21 = tpu.memref_slice %arg3[%add3A, %dma_wait3A_20] : memref<32x10240xf32, #tpu.memory_space<hbm>> -> memref<1x10240xf32, #tpu.memory_space<hbm>>
      %dma_wait3A_22 = tpu.memref_squeeze %dma_wait3A_21 : memref<1x10240xf32, #tpu.memory_space<hbm>> -> memref<10240xf32, #tpu.memory_space<hbm>>
      tpu.wait_dma2 semaphore(%run_scoped3A : memref<!tpu.dma_semaphore, #tpu.memory_space<semaphore_mem>>) src(%arg5 : memref<10240xf32, #tpu.memory_space<vmem>>) dst(%dma_wait3A_22 : memref<10240xf32, #tpu.memory_space<hbm>>)
      tpu.yield
    }) : () -> ()
    return
  }
}

#map = affine_map<(d0, d1) -> (0, 0)>
#map1 = affine_map<(d0, d1) -> (0, 0, 0)>
module attributes {stable_mosaic.version = 14 : i64} {
  func.func @agg(%arg0: i32, %arg1: i32, %arg2: memref<10000x128xf32, #tpu.memory_space<hbm>>, %arg3: memref<32x10000xi32, #tpu.memory_space<hbm>>, %arg4: memref<32x125x80xi32, #tpu.memory_space<hbm>>, %arg5: memref<10240x128xf32, #tpu.memory_space<hbm>>, %arg6: memref<2x10240x128xf32, #tpu.memory_space<hbm>>, %arg7: memref<10000xi32, #tpu.memory_space<vmem>>, %arg8: memref<125x80xi32, #tpu.memory_space<vmem>>, %arg9: memref<80x128xf32, #tpu.memory_space<vmem>>, %arg10: memref<80x128xf32, #tpu.memory_space<vmem>>, %arg11: memref<10240x128xf32, #tpu.memory_space<vmem_shared>>, %arg12: memref<!tpu.dma_semaphore, #tpu.memory_space<semaphore_mem>>, %arg13: memref<!tpu.dma_semaphore, #tpu.memory_space<semaphore_mem>>) attributes {dimension_semantics = [#tpu.dimension_semantics<core_parallel>, #tpu.dimension_semantics<subcore_parallel>], iteration_bounds = array<i64: 2, 16>, scalar_prefetch = 0 : i64, scratch_operands = 7 : i64, tpu.core_type = #tpu.core_type<sc_vector_subcore>, window_params = [{transform_indices = #map}, {transform_indices = #map}, {transform_indices = #map1}, {transform_indices = #map}, {transform_indices = #map1}]} {
    %mul3A = arith.constant 16 : i32
    %mul3A_0 = arith.muli %arg0, %mul3A : i32
    %add3A = arith.addi %mul3A_0, %arg1 : i32
    %mul3A_1 = arith.constant 640 : i32
    %mul3A_2 = arith.muli %arg1, %mul3A_1 : i32
    "tpu.region"() ({
      %run_scoped3A_16 = tpu.sem_alloc : memref<!tpu.dma_semaphore, #tpu.memory_space<semaphore_mem>>
      %dma_start3A_17 = arith.constant 0 : i32
      %dma_start3A_18 = tpu.memref_slice %arg3[%add3A, %dma_start3A_17] : memref<32x10000xi32, #tpu.memory_space<hbm>> -> memref<1x10000xi32, #tpu.memory_space<hbm>>
      %dma_start3A_19 = tpu.memref_squeeze %dma_start3A_18 : memref<1x10000xi32, #tpu.memory_space<hbm>> -> memref<10000xi32, #tpu.memory_space<hbm>>
      %dma_start3A_20 = arith.constant 0 : i32
      %dma_start3A_21 = tpu.memref_slice %arg3[%add3A, %dma_start3A_20] : memref<32x10000xi32, #tpu.memory_space<hbm>> -> memref<1x10000xi32, #tpu.memory_space<hbm>>
      %dma_start3A_22 = tpu.memref_squeeze %dma_start3A_21 : memref<1x10000xi32, #tpu.memory_space<hbm>> -> memref<10000xi32, #tpu.memory_space<hbm>>
      tpu.enqueue_dma source(%dma_start3A_22 : memref<10000xi32, #tpu.memory_space<hbm>>) target(%arg7 : memref<10000xi32, #tpu.memory_space<vmem>>) target_semaphore(%run_scoped3A_16 : memref<!tpu.dma_semaphore, #tpu.memory_space<semaphore_mem>>)
      %dma_wait3A_23 = arith.constant 0 : i32
      %dma_wait3A_24 = tpu.memref_slice %arg3[%add3A, %dma_wait3A_23] : memref<32x10000xi32, #tpu.memory_space<hbm>> -> memref<1x10000xi32, #tpu.memory_space<hbm>>
      %dma_wait3A_25 = tpu.memref_squeeze %dma_wait3A_24 : memref<1x10000xi32, #tpu.memory_space<hbm>> -> memref<10000xi32, #tpu.memory_space<hbm>>
      %dma_wait3A_26 = arith.constant 0 : i32
      %dma_wait3A_27 = tpu.memref_slice %arg3[%add3A, %dma_wait3A_26] : memref<32x10000xi32, #tpu.memory_space<hbm>> -> memref<1x10000xi32, #tpu.memory_space<hbm>>
      %dma_wait3A_28 = tpu.memref_squeeze %dma_wait3A_27 : memref<1x10000xi32, #tpu.memory_space<hbm>> -> memref<10000xi32, #tpu.memory_space<hbm>>
      tpu.wait_dma2 semaphore(%run_scoped3A_16 : memref<!tpu.dma_semaphore, #tpu.memory_space<semaphore_mem>>) src(%dma_wait3A_28 : memref<10000xi32, #tpu.memory_space<hbm>>) dst(%arg7 : memref<10000xi32, #tpu.memory_space<vmem>>)
      tpu.yield
    }) : () -> ()
    "tpu.region"() ({
      %run_scoped3A_16 = tpu.sem_alloc : memref<!tpu.dma_semaphore, #tpu.memory_space<semaphore_mem>>
      %dma_start3A_17 = arith.constant 0 : i32
      %dma_start3A_18 = arith.constant 0 : i32
      %dma_start3A_19 = tpu.memref_slice %arg4[%add3A, %dma_start3A_17, %dma_start3A_18] : memref<32x125x80xi32, #tpu.memory_space<hbm>> -> memref<1x125x80xi32, #tpu.memory_space<hbm>>
      %dma_start3A_20 = tpu.memref_squeeze %dma_start3A_19 : memref<1x125x80xi32, #tpu.memory_space<hbm>> -> memref<125x80xi32, #tpu.memory_space<hbm>>
      %dma_start3A_21 = arith.constant 0 : i32
      %dma_start3A_22 = arith.constant 0 : i32
      %dma_start3A_23 = tpu.memref_slice %arg4[%add3A, %dma_start3A_21, %dma_start3A_22] : memref<32x125x80xi32, #tpu.memory_space<hbm>> -> memref<1x125x80xi32, #tpu.memory_space<hbm>>
      %dma_start3A_24 = tpu.memref_squeeze %dma_start3A_23 : memref<1x125x80xi32, #tpu.memory_space<hbm>> -> memref<125x80xi32, #tpu.memory_space<hbm>>
      tpu.enqueue_dma source(%dma_start3A_24 : memref<125x80xi32, #tpu.memory_space<hbm>>) target(%arg8 : memref<125x80xi32, #tpu.memory_space<vmem>>) target_semaphore(%run_scoped3A_16 : memref<!tpu.dma_semaphore, #tpu.memory_space<semaphore_mem>>)
      %dma_wait3A_25 = arith.constant 0 : i32
      %dma_wait3A_26 = arith.constant 0 : i32
      %dma_wait3A_27 = tpu.memref_slice %arg4[%add3A, %dma_wait3A_25, %dma_wait3A_26] : memref<32x125x80xi32, #tpu.memory_space<hbm>> -> memref<1x125x80xi32, #tpu.memory_space<hbm>>
      %dma_wait3A_28 = tpu.memref_squeeze %dma_wait3A_27 : memref<1x125x80xi32, #tpu.memory_space<hbm>> -> memref<125x80xi32, #tpu.memory_space<hbm>>
      %dma_wait3A_29 = arith.constant 0 : i32
      %dma_wait3A_30 = arith.constant 0 : i32
      %dma_wait3A_31 = tpu.memref_slice %arg4[%add3A, %dma_wait3A_29, %dma_wait3A_30] : memref<32x125x80xi32, #tpu.memory_space<hbm>> -> memref<1x125x80xi32, #tpu.memory_space<hbm>>
      %dma_wait3A_32 = tpu.memref_squeeze %dma_wait3A_31 : memref<1x125x80xi32, #tpu.memory_space<hbm>> -> memref<125x80xi32, #tpu.memory_space<hbm>>
      tpu.wait_dma2 semaphore(%run_scoped3A_16 : memref<!tpu.dma_semaphore, #tpu.memory_space<semaphore_mem>>) src(%dma_wait3A_32 : memref<125x80xi32, #tpu.memory_space<hbm>>) dst(%arg8 : memref<125x80xi32, #tpu.memory_space<vmem>>)
      tpu.yield
    }) : () -> ()
    "tpu.region"() ({
      %run_scoped3A_16 = tpu.sem_alloc : memref<!tpu.dma_semaphore, #tpu.memory_space<semaphore_mem>>
      %dma_start3A_17 = arith.constant 0 : i32
      %dma_start3A_18 = tpu.memref_slice %arg11[%mul3A_2, %dma_start3A_17] : memref<10240x128xf32, #tpu.memory_space<vmem_shared>> -> memref<640x128xf32, #tpu.memory_space<vmem_shared>>
      %dma_start3A_19 = arith.constant 0 : i32
      %dma_start3A_20 = tpu.memref_slice %arg5[%mul3A_2, %dma_start3A_19] : memref<10240x128xf32, #tpu.memory_space<hbm>> -> memref<640x128xf32, #tpu.memory_space<hbm>>
      tpu.enqueue_dma source(%dma_start3A_20 : memref<640x128xf32, #tpu.memory_space<hbm>>) target(%dma_start3A_18 : memref<640x128xf32, #tpu.memory_space<vmem_shared>>) target_semaphore(%run_scoped3A_16 : memref<!tpu.dma_semaphore, #tpu.memory_space<semaphore_mem>>)
      %dma_wait3A_21 = arith.constant 0 : i32
      %dma_wait3A_22 = tpu.memref_slice %arg11[%mul3A_2, %dma_wait3A_21] : memref<10240x128xf32, #tpu.memory_space<vmem_shared>> -> memref<640x128xf32, #tpu.memory_space<vmem_shared>>
      %dma_wait3A_23 = arith.constant 0 : i32
      %dma_wait3A_24 = tpu.memref_slice %arg5[%mul3A_2, %dma_wait3A_23] : memref<10240x128xf32, #tpu.memory_space<hbm>> -> memref<640x128xf32, #tpu.memory_space<hbm>>
      tpu.wait_dma2 semaphore(%run_scoped3A_16 : memref<!tpu.dma_semaphore, #tpu.memory_space<semaphore_mem>>) src(%dma_wait3A_24 : memref<640x128xf32, #tpu.memory_space<hbm>>) dst(%dma_wait3A_22 : memref<640x128xf32, #tpu.memory_space<vmem_shared>>)
      tpu.yield
    }) : () -> ()
    %barrier3A = arith.constant 0 : index
    tpu.barrier barrier_id(%barrier3A)
    %dma_start3A = arith.constant 0 : i32
    %dma_start3A_3 = tpu.memref_slice %arg7[%dma_start3A] : memref<10000xi32, #tpu.memory_space<vmem>> -> memref<80xi32, #tpu.memory_space<vmem>>
    %dma_start3A_4 = arith.constant 0 : i32
    %dma_start3A_5 = arith.constant 0 : i32
    %dma_start3A_6 = tpu.memref_slice %arg2[%dma_start3A_4, %dma_start3A_5] : memref<10000x128xf32, #tpu.memory_space<hbm>> -> memref<10000x128xf32, #tpu.memory_space<hbm>>
    tpu.enqueue_indirect_dma source(%dma_start3A_6 : memref<10000x128xf32, #tpu.memory_space<hbm>>) target(%arg9 : memref<80x128xf32, #tpu.memory_space<vmem>>) offsets(%dma_start3A_3 : memref<80xi32, #tpu.memory_space<vmem>>) semaphore(%arg12 : memref<!tpu.dma_semaphore, #tpu.memory_space<semaphore_mem>>)
    %scan3A = arith.constant 0 : i32
    %scan3A_7 = arith.constant 62 : i32
    %scan3A_8 = arith.addi %scan3A, %scan3A_7 : i32
    %scan3A_9 = arith.constant 1 : i32
    scf.for %scan3A_16 = %scan3A to %scan3A_8 step %scan3A_9  : i32 {
      %mul3A_17 = arith.constant 2 : i32
      %mul3A_18 = arith.muli %scan3A_16, %mul3A_17 : i32
      %add3A_19 = arith.constant 0 : i32
      %add3A_20 = arith.addi %add3A_19, %mul3A_18 : i32
      %add3A_21 = arith.constant 1 : i32
      %add3A_22 = arith.addi %add3A_20, %add3A_21 : i32
      %mul3A_23 = arith.constant 80 : i32
      %mul3A_24 = arith.muli %add3A_22, %mul3A_23 : i32
      %dma_start3A_25 = tpu.memref_slice %arg7[%mul3A_24] : memref<10000xi32, #tpu.memory_space<vmem>> -> memref<80xi32, #tpu.memory_space<vmem>>
      %dma_start3A_26 = arith.constant 0 : i32
      %dma_start3A_27 = arith.constant 0 : i32
      %dma_start3A_28 = tpu.memref_slice %arg2[%dma_start3A_26, %dma_start3A_27] : memref<10000x128xf32, #tpu.memory_space<hbm>> -> memref<10000x128xf32, #tpu.memory_space<hbm>>
      tpu.enqueue_indirect_dma source(%dma_start3A_28 : memref<10000x128xf32, #tpu.memory_space<hbm>>) target(%arg10 : memref<80x128xf32, #tpu.memory_space<vmem>>) offsets(%dma_start3A_25 : memref<80xi32, #tpu.memory_space<vmem>>) semaphore(%arg13 : memref<!tpu.dma_semaphore, #tpu.memory_space<semaphore_mem>>)
      %mul3A_29 = arith.constant 80 : i32
      %mul3A_30 = arith.muli %add3A_20, %mul3A_29 : i32
      %dma_wait3A_31 = tpu.memref_slice %arg7[%mul3A_30] : memref<10000xi32, #tpu.memory_space<vmem>> -> memref<80xi32, #tpu.memory_space<vmem>>
      %dma_wait3A_32 = arith.constant 0 : i32
      %dma_wait3A_33 = arith.constant 0 : i32
      %dma_wait3A_34 = tpu.memref_slice %arg2[%dma_wait3A_32, %dma_wait3A_33] : memref<10000x128xf32, #tpu.memory_space<hbm>> -> memref<10000x128xf32, #tpu.memory_space<hbm>>
      tpu.wait_indirect_dma semaphore(%arg12 : memref<!tpu.dma_semaphore, #tpu.memory_space<semaphore_mem>>) src(%dma_wait3A_34 : memref<10000x128xf32, #tpu.memory_space<hbm>>) dst(%arg9 : memref<80x128xf32, #tpu.memory_space<vmem>>)
      "tpu.region"() ({
        %run_scoped3A_53 = tpu.sem_alloc : memref<!tpu.dma_semaphore, #tpu.memory_space<semaphore_mem>>
        %dma_start3A_54 = arith.constant 0 : i32
        %dma_start3A_55 = tpu.memref_slice %arg8[%add3A_20, %dma_start3A_54] : memref<125x80xi32, #tpu.memory_space<vmem>> -> memref<1x80xi32, #tpu.memory_space<vmem>>
        %dma_start3A_56 = tpu.memref_squeeze %dma_start3A_55 : memref<1x80xi32, #tpu.memory_space<vmem>> -> memref<80xi32, #tpu.memory_space<vmem>>
        %dma_start3A_57 = arith.constant 0 : i32
        %dma_start3A_58 = arith.constant 0 : i32
        %dma_start3A_59 = tpu.memref_slice %arg11[%dma_start3A_57, %dma_start3A_58] : memref<10240x128xf32, #tpu.memory_space<vmem_shared>> -> memref<10240x128xf32, #tpu.memory_space<vmem_shared>>
        tpu.enqueue_indirect_dma source(%arg9 : memref<80x128xf32, #tpu.memory_space<vmem>>) target(%dma_start3A_59 : memref<10240x128xf32, #tpu.memory_space<vmem_shared>>) offsets(%dma_start3A_56 : memref<80xi32, #tpu.memory_space<vmem>>) semaphore(%run_scoped3A_53 : memref<!tpu.dma_semaphore, #tpu.memory_space<semaphore_mem>>) {add = true}
        %dma_wait3A_60 = arith.constant 0 : i32
        %dma_wait3A_61 = tpu.memref_slice %arg8[%add3A_20, %dma_wait3A_60] : memref<125x80xi32, #tpu.memory_space<vmem>> -> memref<1x80xi32, #tpu.memory_space<vmem>>
        %dma_wait3A_62 = tpu.memref_squeeze %dma_wait3A_61 : memref<1x80xi32, #tpu.memory_space<vmem>> -> memref<80xi32, #tpu.memory_space<vmem>>
        %dma_wait3A_63 = arith.constant 0 : i32
        %dma_wait3A_64 = arith.constant 0 : i32
        %dma_wait3A_65 = tpu.memref_slice %arg11[%dma_wait3A_63, %dma_wait3A_64] : memref<10240x128xf32, #tpu.memory_space<vmem_shared>> -> memref<10240x128xf32, #tpu.memory_space<vmem_shared>>
        tpu.wait_indirect_dma semaphore(%run_scoped3A_53 : memref<!tpu.dma_semaphore, #tpu.memory_space<semaphore_mem>>) src(%arg9 : memref<80x128xf32, #tpu.memory_space<vmem>>) dst(%dma_wait3A_65 : memref<10240x128xf32, #tpu.memory_space<vmem_shared>>)
        tpu.yield
      }) : () -> ()
      %add3A_35 = arith.constant 2 : i32
      %add3A_36 = arith.addi %add3A_20, %add3A_35 : i32
      %mul3A_37 = arith.constant 80 : i32
      %mul3A_38 = arith.muli %add3A_36, %mul3A_37 : i32
      %dma_start3A_39 = tpu.memref_slice %arg7[%mul3A_38] : memref<10000xi32, #tpu.memory_space<vmem>> -> memref<80xi32, #tpu.memory_space<vmem>>
      %dma_start3A_40 = arith.constant 0 : i32
      %dma_start3A_41 = arith.constant 0 : i32
      %dma_start3A_42 = tpu.memref_slice %arg2[%dma_start3A_40, %dma_start3A_41] : memref<10000x128xf32, #tpu.memory_space<hbm>> -> memref<10000x128xf32, #tpu.memory_space<hbm>>
      tpu.enqueue_indirect_dma source(%dma_start3A_42 : memref<10000x128xf32, #tpu.memory_space<hbm>>) target(%arg9 : memref<80x128xf32, #tpu.memory_space<vmem>>) offsets(%dma_start3A_39 : memref<80xi32, #tpu.memory_space<vmem>>) semaphore(%arg12 : memref<!tpu.dma_semaphore, #tpu.memory_space<semaphore_mem>>)
      %add3A_43 = arith.constant 1 : i32
      %add3A_44 = arith.addi %add3A_20, %add3A_43 : i32
      %mul3A_45 = arith.constant 80 : i32
      %mul3A_46 = arith.muli %add3A_44, %mul3A_45 : i32
      %dma_wait3A_47 = tpu.memref_slice %arg7[%mul3A_46] : memref<10000xi32, #tpu.memory_space<vmem>> -> memref<80xi32, #tpu.memory_space<vmem>>
      %dma_wait3A_48 = arith.constant 0 : i32
      %dma_wait3A_49 = arith.constant 0 : i32
      %dma_wait3A_50 = tpu.memref_slice %arg2[%dma_wait3A_48, %dma_wait3A_49] : memref<10000x128xf32, #tpu.memory_space<hbm>> -> memref<10000x128xf32, #tpu.memory_space<hbm>>
      tpu.wait_indirect_dma semaphore(%arg13 : memref<!tpu.dma_semaphore, #tpu.memory_space<semaphore_mem>>) src(%dma_wait3A_50 : memref<10000x128xf32, #tpu.memory_space<hbm>>) dst(%arg10 : memref<80x128xf32, #tpu.memory_space<vmem>>)
      %add3A_51 = arith.constant 1 : i32
      %add3A_52 = arith.addi %add3A_20, %add3A_51 : i32
      "tpu.region"() ({
        %run_scoped3A_53 = tpu.sem_alloc : memref<!tpu.dma_semaphore, #tpu.memory_space<semaphore_mem>>
        %dma_start3A_54 = arith.constant 0 : i32
        %dma_start3A_55 = tpu.memref_slice %arg8[%add3A_52, %dma_start3A_54] : memref<125x80xi32, #tpu.memory_space<vmem>> -> memref<1x80xi32, #tpu.memory_space<vmem>>
        %dma_start3A_56 = tpu.memref_squeeze %dma_start3A_55 : memref<1x80xi32, #tpu.memory_space<vmem>> -> memref<80xi32, #tpu.memory_space<vmem>>
        %dma_start3A_57 = arith.constant 0 : i32
        %dma_start3A_58 = arith.constant 0 : i32
        %dma_start3A_59 = tpu.memref_slice %arg11[%dma_start3A_57, %dma_start3A_58] : memref<10240x128xf32, #tpu.memory_space<vmem_shared>> -> memref<10240x128xf32, #tpu.memory_space<vmem_shared>>
        tpu.enqueue_indirect_dma source(%arg10 : memref<80x128xf32, #tpu.memory_space<vmem>>) target(%dma_start3A_59 : memref<10240x128xf32, #tpu.memory_space<vmem_shared>>) offsets(%dma_start3A_56 : memref<80xi32, #tpu.memory_space<vmem>>) semaphore(%run_scoped3A_53 : memref<!tpu.dma_semaphore, #tpu.memory_space<semaphore_mem>>) {add = true}
        %dma_wait3A_60 = arith.constant 0 : i32
        %dma_wait3A_61 = tpu.memref_slice %arg8[%add3A_52, %dma_wait3A_60] : memref<125x80xi32, #tpu.memory_space<vmem>> -> memref<1x80xi32, #tpu.memory_space<vmem>>
        %dma_wait3A_62 = tpu.memref_squeeze %dma_wait3A_61 : memref<1x80xi32, #tpu.memory_space<vmem>> -> memref<80xi32, #tpu.memory_space<vmem>>
        %dma_wait3A_63 = arith.constant 0 : i32
        %dma_wait3A_64 = arith.constant 0 : i32
        %dma_wait3A_65 = tpu.memref_slice %arg11[%dma_wait3A_63, %dma_wait3A_64] : memref<10240x128xf32, #tpu.memory_space<vmem_shared>> -> memref<10240x128xf32, #tpu.memory_space<vmem_shared>>
        tpu.wait_indirect_dma semaphore(%run_scoped3A_53 : memref<!tpu.dma_semaphore, #tpu.memory_space<semaphore_mem>>) src(%arg10 : memref<80x128xf32, #tpu.memory_space<vmem>>) dst(%dma_wait3A_65 : memref<10240x128xf32, #tpu.memory_space<vmem_shared>>)
        tpu.yield
      }) : () -> ()
    }
    %scan3A_10 = arith.constant 62 : i32
    %dma_wait3A = arith.constant 9920 : i32
    %dma_wait3A_11 = tpu.memref_slice %arg7[%dma_wait3A] : memref<10000xi32, #tpu.memory_space<vmem>> -> memref<80xi32, #tpu.memory_space<vmem>>
    %dma_wait3A_12 = arith.constant 0 : i32
    %dma_wait3A_13 = arith.constant 0 : i32
    %dma_wait3A_14 = tpu.memref_slice %arg2[%dma_wait3A_12, %dma_wait3A_13] : memref<10000x128xf32, #tpu.memory_space<hbm>> -> memref<10000x128xf32, #tpu.memory_space<hbm>>
    tpu.wait_indirect_dma semaphore(%arg12 : memref<!tpu.dma_semaphore, #tpu.memory_space<semaphore_mem>>) src(%dma_wait3A_14 : memref<10000x128xf32, #tpu.memory_space<hbm>>) dst(%arg9 : memref<80x128xf32, #tpu.memory_space<vmem>>)
    %run_scoped3A = arith.constant 124 : i32
    "tpu.region"() ({
      %run_scoped3A_16 = tpu.sem_alloc : memref<!tpu.dma_semaphore, #tpu.memory_space<semaphore_mem>>
      %dma_start3A_17 = arith.constant 0 : i32
      %dma_start3A_18 = tpu.memref_slice %arg8[%run_scoped3A, %dma_start3A_17] : memref<125x80xi32, #tpu.memory_space<vmem>> -> memref<1x80xi32, #tpu.memory_space<vmem>>
      %dma_start3A_19 = tpu.memref_squeeze %dma_start3A_18 : memref<1x80xi32, #tpu.memory_space<vmem>> -> memref<80xi32, #tpu.memory_space<vmem>>
      %dma_start3A_20 = arith.constant 0 : i32
      %dma_start3A_21 = arith.constant 0 : i32
      %dma_start3A_22 = tpu.memref_slice %arg11[%dma_start3A_20, %dma_start3A_21] : memref<10240x128xf32, #tpu.memory_space<vmem_shared>> -> memref<10240x128xf32, #tpu.memory_space<vmem_shared>>
      tpu.enqueue_indirect_dma source(%arg9 : memref<80x128xf32, #tpu.memory_space<vmem>>) target(%dma_start3A_22 : memref<10240x128xf32, #tpu.memory_space<vmem_shared>>) offsets(%dma_start3A_19 : memref<80xi32, #tpu.memory_space<vmem>>) semaphore(%run_scoped3A_16 : memref<!tpu.dma_semaphore, #tpu.memory_space<semaphore_mem>>) {add = true}
      %dma_wait3A_23 = arith.constant 0 : i32
      %dma_wait3A_24 = tpu.memref_slice %arg8[%run_scoped3A, %dma_wait3A_23] : memref<125x80xi32, #tpu.memory_space<vmem>> -> memref<1x80xi32, #tpu.memory_space<vmem>>
      %dma_wait3A_25 = tpu.memref_squeeze %dma_wait3A_24 : memref<1x80xi32, #tpu.memory_space<vmem>> -> memref<80xi32, #tpu.memory_space<vmem>>
      %dma_wait3A_26 = arith.constant 0 : i32
      %dma_wait3A_27 = arith.constant 0 : i32
      %dma_wait3A_28 = tpu.memref_slice %arg11[%dma_wait3A_26, %dma_wait3A_27] : memref<10240x128xf32, #tpu.memory_space<vmem_shared>> -> memref<10240x128xf32, #tpu.memory_space<vmem_shared>>
      tpu.wait_indirect_dma semaphore(%run_scoped3A_16 : memref<!tpu.dma_semaphore, #tpu.memory_space<semaphore_mem>>) src(%arg9 : memref<80x128xf32, #tpu.memory_space<vmem>>) dst(%dma_wait3A_28 : memref<10240x128xf32, #tpu.memory_space<vmem_shared>>)
      tpu.yield
    }) : () -> ()
    %barrier3A_15 = arith.constant 0 : index
    tpu.barrier barrier_id(%barrier3A_15)
    "tpu.region"() ({
      %run_scoped3A_16 = tpu.sem_alloc : memref<!tpu.dma_semaphore, #tpu.memory_space<semaphore_mem>>
      %dma_start3A_17 = arith.constant 0 : i32
      %dma_start3A_18 = tpu.memref_slice %arg6[%arg0, %mul3A_2, %dma_start3A_17] : memref<2x10240x128xf32, #tpu.memory_space<hbm>> -> memref<1x640x128xf32, #tpu.memory_space<hbm>>
      %dma_start3A_19 = tpu.memref_squeeze %dma_start3A_18 : memref<1x640x128xf32, #tpu.memory_space<hbm>> -> memref<640x128xf32, #tpu.memory_space<hbm>>
      %dma_start3A_20 = arith.constant 0 : i32
      %dma_start3A_21 = tpu.memref_slice %arg11[%mul3A_2, %dma_start3A_20] : memref<10240x128xf32, #tpu.memory_space<vmem_shared>> -> memref<640x128xf32, #tpu.memory_space<vmem_shared>>
      tpu.enqueue_dma source(%dma_start3A_21 : memref<640x128xf32, #tpu.memory_space<vmem_shared>>) target(%dma_start3A_19 : memref<640x128xf32, #tpu.memory_space<hbm>>) target_semaphore(%run_scoped3A_16 : memref<!tpu.dma_semaphore, #tpu.memory_space<semaphore_mem>>)
      %dma_wait3A_22 = arith.constant 0 : i32
      %dma_wait3A_23 = tpu.memref_slice %arg6[%arg0, %mul3A_2, %dma_wait3A_22] : memref<2x10240x128xf32, #tpu.memory_space<hbm>> -> memref<1x640x128xf32, #tpu.memory_space<hbm>>
      %dma_wait3A_24 = tpu.memref_squeeze %dma_wait3A_23 : memref<1x640x128xf32, #tpu.memory_space<hbm>> -> memref<640x128xf32, #tpu.memory_space<hbm>>
      %dma_wait3A_25 = arith.constant 0 : i32
      %dma_wait3A_26 = tpu.memref_slice %arg11[%mul3A_2, %dma_wait3A_25] : memref<10240x128xf32, #tpu.memory_space<vmem_shared>> -> memref<640x128xf32, #tpu.memory_space<vmem_shared>>
      tpu.wait_dma2 semaphore(%run_scoped3A_16 : memref<!tpu.dma_semaphore, #tpu.memory_space<semaphore_mem>>) src(%dma_wait3A_26 : memref<640x128xf32, #tpu.memory_space<vmem_shared>>) dst(%dma_wait3A_24 : memref<640x128xf32, #tpu.memory_space<hbm>>)
      tpu.yield
    }) : () -> ()
    return
  }
}

#map = affine_map<(d0, d1) -> (0, 0)>
#map1 = affine_map<(d0, d1) -> (0, 0, 0)>
module attributes {stable_mosaic.version = 14 : i64} {
  func.func @agg(%arg0: i32, %arg1: i32, %arg2: memref<10240x48xf32, #tpu.memory_space<hbm>>, %arg3: memref<32x10000xi32, #tpu.memory_space<hbm>>, %arg4: memref<32x125x80xi32, #tpu.memory_space<hbm>>, %arg5: memref<10240x48xf32, #tpu.memory_space<hbm>>, %arg6: memref<2x10240x48xf32, #tpu.memory_space<hbm>>, %arg7: memref<10000xi32, #tpu.memory_space<vmem>>, %arg8: memref<125x80xi32, #tpu.memory_space<vmem>>, %arg9: memref<80x48xf32, #tpu.memory_space<vmem>>, %arg10: memref<80x48xf32, #tpu.memory_space<vmem>>, %arg11: memref<10240x48xf32, #tpu.memory_space<vmem_shared>>, %arg12: memref<!tpu.dma_semaphore, #tpu.memory_space<semaphore_mem>>, %arg13: memref<!tpu.dma_semaphore, #tpu.memory_space<semaphore_mem>>) attributes {dimension_semantics = [#tpu.dimension_semantics<core_parallel>, #tpu.dimension_semantics<subcore_parallel>], iteration_bounds = array<i64: 2, 16>, scalar_prefetch = 0 : i64, scratch_operands = 7 : i64, tpu.core_type = #tpu.core_type<sc_vector_subcore>, window_params = [{transform_indices = #map}, {transform_indices = #map}, {transform_indices = #map1}, {transform_indices = #map}, {transform_indices = #map1}]} {
    %mul3A = arith.constant 16 : i32
    %mul3A_0 = arith.muli %arg0, %mul3A : i32
    %add3A = arith.addi %mul3A_0, %arg1 : i32
    %mul3A_1 = arith.constant 640 : i32
    %mul3A_2 = arith.muli %arg1, %mul3A_1 : i32
    "tpu.region"() ({
      %run_scoped3A_16 = tpu.sem_alloc : memref<!tpu.dma_semaphore, #tpu.memory_space<semaphore_mem>>
      %dma_start3A_17 = arith.constant 0 : i32
      %dma_start3A_18 = tpu.memref_slice %arg3[%add3A, %dma_start3A_17] : memref<32x10000xi32, #tpu.memory_space<hbm>> -> memref<1x10000xi32, #tpu.memory_space<hbm>>
      %dma_start3A_19 = tpu.memref_squeeze %dma_start3A_18 : memref<1x10000xi32, #tpu.memory_space<hbm>> -> memref<10000xi32, #tpu.memory_space<hbm>>
      %dma_start3A_20 = arith.constant 0 : i32
      %dma_start3A_21 = tpu.memref_slice %arg3[%add3A, %dma_start3A_20] : memref<32x10000xi32, #tpu.memory_space<hbm>> -> memref<1x10000xi32, #tpu.memory_space<hbm>>
      %dma_start3A_22 = tpu.memref_squeeze %dma_start3A_21 : memref<1x10000xi32, #tpu.memory_space<hbm>> -> memref<10000xi32, #tpu.memory_space<hbm>>
      tpu.enqueue_dma source(%dma_start3A_22 : memref<10000xi32, #tpu.memory_space<hbm>>) target(%arg7 : memref<10000xi32, #tpu.memory_space<vmem>>) target_semaphore(%run_scoped3A_16 : memref<!tpu.dma_semaphore, #tpu.memory_space<semaphore_mem>>)
      %dma_wait3A_23 = arith.constant 0 : i32
      %dma_wait3A_24 = tpu.memref_slice %arg3[%add3A, %dma_wait3A_23] : memref<32x10000xi32, #tpu.memory_space<hbm>> -> memref<1x10000xi32, #tpu.memory_space<hbm>>
      %dma_wait3A_25 = tpu.memref_squeeze %dma_wait3A_24 : memref<1x10000xi32, #tpu.memory_space<hbm>> -> memref<10000xi32, #tpu.memory_space<hbm>>
      %dma_wait3A_26 = arith.constant 0 : i32
      %dma_wait3A_27 = tpu.memref_slice %arg3[%add3A, %dma_wait3A_26] : memref<32x10000xi32, #tpu.memory_space<hbm>> -> memref<1x10000xi32, #tpu.memory_space<hbm>>
      %dma_wait3A_28 = tpu.memref_squeeze %dma_wait3A_27 : memref<1x10000xi32, #tpu.memory_space<hbm>> -> memref<10000xi32, #tpu.memory_space<hbm>>
      tpu.wait_dma2 semaphore(%run_scoped3A_16 : memref<!tpu.dma_semaphore, #tpu.memory_space<semaphore_mem>>) src(%dma_wait3A_28 : memref<10000xi32, #tpu.memory_space<hbm>>) dst(%arg7 : memref<10000xi32, #tpu.memory_space<vmem>>)
      tpu.yield
    }) : () -> ()
    "tpu.region"() ({
      %run_scoped3A_16 = tpu.sem_alloc : memref<!tpu.dma_semaphore, #tpu.memory_space<semaphore_mem>>
      %dma_start3A_17 = arith.constant 0 : i32
      %dma_start3A_18 = arith.constant 0 : i32
      %dma_start3A_19 = tpu.memref_slice %arg4[%add3A, %dma_start3A_17, %dma_start3A_18] : memref<32x125x80xi32, #tpu.memory_space<hbm>> -> memref<1x125x80xi32, #tpu.memory_space<hbm>>
      %dma_start3A_20 = tpu.memref_squeeze %dma_start3A_19 : memref<1x125x80xi32, #tpu.memory_space<hbm>> -> memref<125x80xi32, #tpu.memory_space<hbm>>
      %dma_start3A_21 = arith.constant 0 : i32
      %dma_start3A_22 = arith.constant 0 : i32
      %dma_start3A_23 = tpu.memref_slice %arg4[%add3A, %dma_start3A_21, %dma_start3A_22] : memref<32x125x80xi32, #tpu.memory_space<hbm>> -> memref<1x125x80xi32, #tpu.memory_space<hbm>>
      %dma_start3A_24 = tpu.memref_squeeze %dma_start3A_23 : memref<1x125x80xi32, #tpu.memory_space<hbm>> -> memref<125x80xi32, #tpu.memory_space<hbm>>
      tpu.enqueue_dma source(%dma_start3A_24 : memref<125x80xi32, #tpu.memory_space<hbm>>) target(%arg8 : memref<125x80xi32, #tpu.memory_space<vmem>>) target_semaphore(%run_scoped3A_16 : memref<!tpu.dma_semaphore, #tpu.memory_space<semaphore_mem>>)
      %dma_wait3A_25 = arith.constant 0 : i32
      %dma_wait3A_26 = arith.constant 0 : i32
      %dma_wait3A_27 = tpu.memref_slice %arg4[%add3A, %dma_wait3A_25, %dma_wait3A_26] : memref<32x125x80xi32, #tpu.memory_space<hbm>> -> memref<1x125x80xi32, #tpu.memory_space<hbm>>
      %dma_wait3A_28 = tpu.memref_squeeze %dma_wait3A_27 : memref<1x125x80xi32, #tpu.memory_space<hbm>> -> memref<125x80xi32, #tpu.memory_space<hbm>>
      %dma_wait3A_29 = arith.constant 0 : i32
      %dma_wait3A_30 = arith.constant 0 : i32
      %dma_wait3A_31 = tpu.memref_slice %arg4[%add3A, %dma_wait3A_29, %dma_wait3A_30] : memref<32x125x80xi32, #tpu.memory_space<hbm>> -> memref<1x125x80xi32, #tpu.memory_space<hbm>>
      %dma_wait3A_32 = tpu.memref_squeeze %dma_wait3A_31 : memref<1x125x80xi32, #tpu.memory_space<hbm>> -> memref<125x80xi32, #tpu.memory_space<hbm>>
      tpu.wait_dma2 semaphore(%run_scoped3A_16 : memref<!tpu.dma_semaphore, #tpu.memory_space<semaphore_mem>>) src(%dma_wait3A_32 : memref<125x80xi32, #tpu.memory_space<hbm>>) dst(%arg8 : memref<125x80xi32, #tpu.memory_space<vmem>>)
      tpu.yield
    }) : () -> ()
    "tpu.region"() ({
      %run_scoped3A_16 = tpu.sem_alloc : memref<!tpu.dma_semaphore, #tpu.memory_space<semaphore_mem>>
      %dma_start3A_17 = arith.constant 0 : i32
      %dma_start3A_18 = tpu.memref_slice %arg11[%mul3A_2, %dma_start3A_17] : memref<10240x48xf32, #tpu.memory_space<vmem_shared>> -> memref<640x48xf32, #tpu.memory_space<vmem_shared>>
      %dma_start3A_19 = arith.constant 0 : i32
      %dma_start3A_20 = tpu.memref_slice %arg5[%mul3A_2, %dma_start3A_19] : memref<10240x48xf32, #tpu.memory_space<hbm>> -> memref<640x48xf32, #tpu.memory_space<hbm>>
      tpu.enqueue_dma source(%dma_start3A_20 : memref<640x48xf32, #tpu.memory_space<hbm>>) target(%dma_start3A_18 : memref<640x48xf32, #tpu.memory_space<vmem_shared>>) target_semaphore(%run_scoped3A_16 : memref<!tpu.dma_semaphore, #tpu.memory_space<semaphore_mem>>)
      %dma_wait3A_21 = arith.constant 0 : i32
      %dma_wait3A_22 = tpu.memref_slice %arg11[%mul3A_2, %dma_wait3A_21] : memref<10240x48xf32, #tpu.memory_space<vmem_shared>> -> memref<640x48xf32, #tpu.memory_space<vmem_shared>>
      %dma_wait3A_23 = arith.constant 0 : i32
      %dma_wait3A_24 = tpu.memref_slice %arg5[%mul3A_2, %dma_wait3A_23] : memref<10240x48xf32, #tpu.memory_space<hbm>> -> memref<640x48xf32, #tpu.memory_space<hbm>>
      tpu.wait_dma2 semaphore(%run_scoped3A_16 : memref<!tpu.dma_semaphore, #tpu.memory_space<semaphore_mem>>) src(%dma_wait3A_24 : memref<640x48xf32, #tpu.memory_space<hbm>>) dst(%dma_wait3A_22 : memref<640x48xf32, #tpu.memory_space<vmem_shared>>)
      tpu.yield
    }) : () -> ()
    %barrier3A = arith.constant 0 : index
    tpu.barrier barrier_id(%barrier3A)
    %dma_start3A = arith.constant 0 : i32
    %dma_start3A_3 = tpu.memref_slice %arg7[%dma_start3A] : memref<10000xi32, #tpu.memory_space<vmem>> -> memref<80xi32, #tpu.memory_space<vmem>>
    %dma_start3A_4 = arith.constant 0 : i32
    %dma_start3A_5 = arith.constant 0 : i32
    %dma_start3A_6 = tpu.memref_slice %arg2[%dma_start3A_4, %dma_start3A_5] : memref<10240x48xf32, #tpu.memory_space<hbm>> -> memref<10240x48xf32, #tpu.memory_space<hbm>>
    tpu.enqueue_indirect_dma source(%dma_start3A_6 : memref<10240x48xf32, #tpu.memory_space<hbm>>) target(%arg9 : memref<80x48xf32, #tpu.memory_space<vmem>>) offsets(%dma_start3A_3 : memref<80xi32, #tpu.memory_space<vmem>>) semaphore(%arg12 : memref<!tpu.dma_semaphore, #tpu.memory_space<semaphore_mem>>)
    %scan3A = arith.constant 0 : i32
    %scan3A_7 = arith.constant 62 : i32
    %scan3A_8 = arith.addi %scan3A, %scan3A_7 : i32
    %scan3A_9 = arith.constant 1 : i32
    scf.for %scan3A_16 = %scan3A to %scan3A_8 step %scan3A_9  : i32 {
      %mul3A_17 = arith.constant 2 : i32
      %mul3A_18 = arith.muli %scan3A_16, %mul3A_17 : i32
      %add3A_19 = arith.constant 0 : i32
      %add3A_20 = arith.addi %add3A_19, %mul3A_18 : i32
      %add3A_21 = arith.constant 1 : i32
      %add3A_22 = arith.addi %add3A_20, %add3A_21 : i32
      %mul3A_23 = arith.constant 80 : i32
      %mul3A_24 = arith.muli %add3A_22, %mul3A_23 : i32
      %dma_start3A_25 = tpu.memref_slice %arg7[%mul3A_24] : memref<10000xi32, #tpu.memory_space<vmem>> -> memref<80xi32, #tpu.memory_space<vmem>>
      %dma_start3A_26 = arith.constant 0 : i32
      %dma_start3A_27 = arith.constant 0 : i32
      %dma_start3A_28 = tpu.memref_slice %arg2[%dma_start3A_26, %dma_start3A_27] : memref<10240x48xf32, #tpu.memory_space<hbm>> -> memref<10240x48xf32, #tpu.memory_space<hbm>>
      tpu.enqueue_indirect_dma source(%dma_start3A_28 : memref<10240x48xf32, #tpu.memory_space<hbm>>) target(%arg10 : memref<80x48xf32, #tpu.memory_space<vmem>>) offsets(%dma_start3A_25 : memref<80xi32, #tpu.memory_space<vmem>>) semaphore(%arg13 : memref<!tpu.dma_semaphore, #tpu.memory_space<semaphore_mem>>)
      %mul3A_29 = arith.constant 80 : i32
      %mul3A_30 = arith.muli %add3A_20, %mul3A_29 : i32
      %dma_wait3A_31 = tpu.memref_slice %arg7[%mul3A_30] : memref<10000xi32, #tpu.memory_space<vmem>> -> memref<80xi32, #tpu.memory_space<vmem>>
      %dma_wait3A_32 = arith.constant 0 : i32
      %dma_wait3A_33 = arith.constant 0 : i32
      %dma_wait3A_34 = tpu.memref_slice %arg2[%dma_wait3A_32, %dma_wait3A_33] : memref<10240x48xf32, #tpu.memory_space<hbm>> -> memref<10240x48xf32, #tpu.memory_space<hbm>>
      tpu.wait_indirect_dma semaphore(%arg12 : memref<!tpu.dma_semaphore, #tpu.memory_space<semaphore_mem>>) src(%dma_wait3A_34 : memref<10240x48xf32, #tpu.memory_space<hbm>>) dst(%arg9 : memref<80x48xf32, #tpu.memory_space<vmem>>)
      "tpu.region"() ({
        %run_scoped3A_53 = tpu.sem_alloc : memref<!tpu.dma_semaphore, #tpu.memory_space<semaphore_mem>>
        %dma_start3A_54 = arith.constant 0 : i32
        %dma_start3A_55 = tpu.memref_slice %arg8[%add3A_20, %dma_start3A_54] : memref<125x80xi32, #tpu.memory_space<vmem>> -> memref<1x80xi32, #tpu.memory_space<vmem>>
        %dma_start3A_56 = tpu.memref_squeeze %dma_start3A_55 : memref<1x80xi32, #tpu.memory_space<vmem>> -> memref<80xi32, #tpu.memory_space<vmem>>
        %dma_start3A_57 = arith.constant 0 : i32
        %dma_start3A_58 = arith.constant 0 : i32
        %dma_start3A_59 = tpu.memref_slice %arg11[%dma_start3A_57, %dma_start3A_58] : memref<10240x48xf32, #tpu.memory_space<vmem_shared>> -> memref<10240x48xf32, #tpu.memory_space<vmem_shared>>
        tpu.enqueue_indirect_dma source(%arg9 : memref<80x48xf32, #tpu.memory_space<vmem>>) target(%dma_start3A_59 : memref<10240x48xf32, #tpu.memory_space<vmem_shared>>) offsets(%dma_start3A_56 : memref<80xi32, #tpu.memory_space<vmem>>) semaphore(%run_scoped3A_53 : memref<!tpu.dma_semaphore, #tpu.memory_space<semaphore_mem>>) {add = true}
        %dma_wait3A_60 = arith.constant 0 : i32
        %dma_wait3A_61 = tpu.memref_slice %arg8[%add3A_20, %dma_wait3A_60] : memref<125x80xi32, #tpu.memory_space<vmem>> -> memref<1x80xi32, #tpu.memory_space<vmem>>
        %dma_wait3A_62 = tpu.memref_squeeze %dma_wait3A_61 : memref<1x80xi32, #tpu.memory_space<vmem>> -> memref<80xi32, #tpu.memory_space<vmem>>
        %dma_wait3A_63 = arith.constant 0 : i32
        %dma_wait3A_64 = arith.constant 0 : i32
        %dma_wait3A_65 = tpu.memref_slice %arg11[%dma_wait3A_63, %dma_wait3A_64] : memref<10240x48xf32, #tpu.memory_space<vmem_shared>> -> memref<10240x48xf32, #tpu.memory_space<vmem_shared>>
        tpu.wait_indirect_dma semaphore(%run_scoped3A_53 : memref<!tpu.dma_semaphore, #tpu.memory_space<semaphore_mem>>) src(%arg9 : memref<80x48xf32, #tpu.memory_space<vmem>>) dst(%dma_wait3A_65 : memref<10240x48xf32, #tpu.memory_space<vmem_shared>>)
        tpu.yield
      }) : () -> ()
      %add3A_35 = arith.constant 2 : i32
      %add3A_36 = arith.addi %add3A_20, %add3A_35 : i32
      %mul3A_37 = arith.constant 80 : i32
      %mul3A_38 = arith.muli %add3A_36, %mul3A_37 : i32
      %dma_start3A_39 = tpu.memref_slice %arg7[%mul3A_38] : memref<10000xi32, #tpu.memory_space<vmem>> -> memref<80xi32, #tpu.memory_space<vmem>>
      %dma_start3A_40 = arith.constant 0 : i32
      %dma_start3A_41 = arith.constant 0 : i32
      %dma_start3A_42 = tpu.memref_slice %arg2[%dma_start3A_40, %dma_start3A_41] : memref<10240x48xf32, #tpu.memory_space<hbm>> -> memref<10240x48xf32, #tpu.memory_space<hbm>>
      tpu.enqueue_indirect_dma source(%dma_start3A_42 : memref<10240x48xf32, #tpu.memory_space<hbm>>) target(%arg9 : memref<80x48xf32, #tpu.memory_space<vmem>>) offsets(%dma_start3A_39 : memref<80xi32, #tpu.memory_space<vmem>>) semaphore(%arg12 : memref<!tpu.dma_semaphore, #tpu.memory_space<semaphore_mem>>)
      %add3A_43 = arith.constant 1 : i32
      %add3A_44 = arith.addi %add3A_20, %add3A_43 : i32
      %mul3A_45 = arith.constant 80 : i32
      %mul3A_46 = arith.muli %add3A_44, %mul3A_45 : i32
      %dma_wait3A_47 = tpu.memref_slice %arg7[%mul3A_46] : memref<10000xi32, #tpu.memory_space<vmem>> -> memref<80xi32, #tpu.memory_space<vmem>>
      %dma_wait3A_48 = arith.constant 0 : i32
      %dma_wait3A_49 = arith.constant 0 : i32
      %dma_wait3A_50 = tpu.memref_slice %arg2[%dma_wait3A_48, %dma_wait3A_49] : memref<10240x48xf32, #tpu.memory_space<hbm>> -> memref<10240x48xf32, #tpu.memory_space<hbm>>
      tpu.wait_indirect_dma semaphore(%arg13 : memref<!tpu.dma_semaphore, #tpu.memory_space<semaphore_mem>>) src(%dma_wait3A_50 : memref<10240x48xf32, #tpu.memory_space<hbm>>) dst(%arg10 : memref<80x48xf32, #tpu.memory_space<vmem>>)
      %add3A_51 = arith.constant 1 : i32
      %add3A_52 = arith.addi %add3A_20, %add3A_51 : i32
      "tpu.region"() ({
        %run_scoped3A_53 = tpu.sem_alloc : memref<!tpu.dma_semaphore, #tpu.memory_space<semaphore_mem>>
        %dma_start3A_54 = arith.constant 0 : i32
        %dma_start3A_55 = tpu.memref_slice %arg8[%add3A_52, %dma_start3A_54] : memref<125x80xi32, #tpu.memory_space<vmem>> -> memref<1x80xi32, #tpu.memory_space<vmem>>
        %dma_start3A_56 = tpu.memref_squeeze %dma_start3A_55 : memref<1x80xi32, #tpu.memory_space<vmem>> -> memref<80xi32, #tpu.memory_space<vmem>>
        %dma_start3A_57 = arith.constant 0 : i32
        %dma_start3A_58 = arith.constant 0 : i32
        %dma_start3A_59 = tpu.memref_slice %arg11[%dma_start3A_57, %dma_start3A_58] : memref<10240x48xf32, #tpu.memory_space<vmem_shared>> -> memref<10240x48xf32, #tpu.memory_space<vmem_shared>>
        tpu.enqueue_indirect_dma source(%arg10 : memref<80x48xf32, #tpu.memory_space<vmem>>) target(%dma_start3A_59 : memref<10240x48xf32, #tpu.memory_space<vmem_shared>>) offsets(%dma_start3A_56 : memref<80xi32, #tpu.memory_space<vmem>>) semaphore(%run_scoped3A_53 : memref<!tpu.dma_semaphore, #tpu.memory_space<semaphore_mem>>) {add = true}
        %dma_wait3A_60 = arith.constant 0 : i32
        %dma_wait3A_61 = tpu.memref_slice %arg8[%add3A_52, %dma_wait3A_60] : memref<125x80xi32, #tpu.memory_space<vmem>> -> memref<1x80xi32, #tpu.memory_space<vmem>>
        %dma_wait3A_62 = tpu.memref_squeeze %dma_wait3A_61 : memref<1x80xi32, #tpu.memory_space<vmem>> -> memref<80xi32, #tpu.memory_space<vmem>>
        %dma_wait3A_63 = arith.constant 0 : i32
        %dma_wait3A_64 = arith.constant 0 : i32
        %dma_wait3A_65 = tpu.memref_slice %arg11[%dma_wait3A_63, %dma_wait3A_64] : memref<10240x48xf32, #tpu.memory_space<vmem_shared>> -> memref<10240x48xf32, #tpu.memory_space<vmem_shared>>
        tpu.wait_indirect_dma semaphore(%run_scoped3A_53 : memref<!tpu.dma_semaphore, #tpu.memory_space<semaphore_mem>>) src(%arg10 : memref<80x48xf32, #tpu.memory_space<vmem>>) dst(%dma_wait3A_65 : memref<10240x48xf32, #tpu.memory_space<vmem_shared>>)
        tpu.yield
      }) : () -> ()
    }
    %scan3A_10 = arith.constant 62 : i32
    %dma_wait3A = arith.constant 9920 : i32
    %dma_wait3A_11 = tpu.memref_slice %arg7[%dma_wait3A] : memref<10000xi32, #tpu.memory_space<vmem>> -> memref<80xi32, #tpu.memory_space<vmem>>
    %dma_wait3A_12 = arith.constant 0 : i32
    %dma_wait3A_13 = arith.constant 0 : i32
    %dma_wait3A_14 = tpu.memref_slice %arg2[%dma_wait3A_12, %dma_wait3A_13] : memref<10240x48xf32, #tpu.memory_space<hbm>> -> memref<10240x48xf32, #tpu.memory_space<hbm>>
    tpu.wait_indirect_dma semaphore(%arg12 : memref<!tpu.dma_semaphore, #tpu.memory_space<semaphore_mem>>) src(%dma_wait3A_14 : memref<10240x48xf32, #tpu.memory_space<hbm>>) dst(%arg9 : memref<80x48xf32, #tpu.memory_space<vmem>>)
    %run_scoped3A = arith.constant 124 : i32
    "tpu.region"() ({
      %run_scoped3A_16 = tpu.sem_alloc : memref<!tpu.dma_semaphore, #tpu.memory_space<semaphore_mem>>
      %dma_start3A_17 = arith.constant 0 : i32
      %dma_start3A_18 = tpu.memref_slice %arg8[%run_scoped3A, %dma_start3A_17] : memref<125x80xi32, #tpu.memory_space<vmem>> -> memref<1x80xi32, #tpu.memory_space<vmem>>
      %dma_start3A_19 = tpu.memref_squeeze %dma_start3A_18 : memref<1x80xi32, #tpu.memory_space<vmem>> -> memref<80xi32, #tpu.memory_space<vmem>>
      %dma_start3A_20 = arith.constant 0 : i32
      %dma_start3A_21 = arith.constant 0 : i32
      %dma_start3A_22 = tpu.memref_slice %arg11[%dma_start3A_20, %dma_start3A_21] : memref<10240x48xf32, #tpu.memory_space<vmem_shared>> -> memref<10240x48xf32, #tpu.memory_space<vmem_shared>>
      tpu.enqueue_indirect_dma source(%arg9 : memref<80x48xf32, #tpu.memory_space<vmem>>) target(%dma_start3A_22 : memref<10240x48xf32, #tpu.memory_space<vmem_shared>>) offsets(%dma_start3A_19 : memref<80xi32, #tpu.memory_space<vmem>>) semaphore(%run_scoped3A_16 : memref<!tpu.dma_semaphore, #tpu.memory_space<semaphore_mem>>) {add = true}
      %dma_wait3A_23 = arith.constant 0 : i32
      %dma_wait3A_24 = tpu.memref_slice %arg8[%run_scoped3A, %dma_wait3A_23] : memref<125x80xi32, #tpu.memory_space<vmem>> -> memref<1x80xi32, #tpu.memory_space<vmem>>
      %dma_wait3A_25 = tpu.memref_squeeze %dma_wait3A_24 : memref<1x80xi32, #tpu.memory_space<vmem>> -> memref<80xi32, #tpu.memory_space<vmem>>
      %dma_wait3A_26 = arith.constant 0 : i32
      %dma_wait3A_27 = arith.constant 0 : i32
      %dma_wait3A_28 = tpu.memref_slice %arg11[%dma_wait3A_26, %dma_wait3A_27] : memref<10240x48xf32, #tpu.memory_space<vmem_shared>> -> memref<10240x48xf32, #tpu.memory_space<vmem_shared>>
      tpu.wait_indirect_dma semaphore(%run_scoped3A_16 : memref<!tpu.dma_semaphore, #tpu.memory_space<semaphore_mem>>) src(%arg9 : memref<80x48xf32, #tpu.memory_space<vmem>>) dst(%dma_wait3A_28 : memref<10240x48xf32, #tpu.memory_space<vmem_shared>>)
      tpu.yield
    }) : () -> ()
    %barrier3A_15 = arith.constant 0 : index
    tpu.barrier barrier_id(%barrier3A_15)
    "tpu.region"() ({
      %run_scoped3A_16 = tpu.sem_alloc : memref<!tpu.dma_semaphore, #tpu.memory_space<semaphore_mem>>
      %dma_start3A_17 = arith.constant 0 : i32
      %dma_start3A_18 = tpu.memref_slice %arg6[%arg0, %mul3A_2, %dma_start3A_17] : memref<2x10240x48xf32, #tpu.memory_space<hbm>> -> memref<1x640x48xf32, #tpu.memory_space<hbm>>
      %dma_start3A_19 = tpu.memref_squeeze %dma_start3A_18 : memref<1x640x48xf32, #tpu.memory_space<hbm>> -> memref<640x48xf32, #tpu.memory_space<hbm>>
      %dma_start3A_20 = arith.constant 0 : i32
      %dma_start3A_21 = tpu.memref_slice %arg11[%mul3A_2, %dma_start3A_20] : memref<10240x48xf32, #tpu.memory_space<vmem_shared>> -> memref<640x48xf32, #tpu.memory_space<vmem_shared>>
      tpu.enqueue_dma source(%dma_start3A_21 : memref<640x48xf32, #tpu.memory_space<vmem_shared>>) target(%dma_start3A_19 : memref<640x48xf32, #tpu.memory_space<hbm>>) target_semaphore(%run_scoped3A_16 : memref<!tpu.dma_semaphore, #tpu.memory_space<semaphore_mem>>)
      %dma_wait3A_22 = arith.constant 0 : i32
      %dma_wait3A_23 = tpu.memref_slice %arg6[%arg0, %mul3A_2, %dma_wait3A_22] : memref<2x10240x48xf32, #tpu.memory_space<hbm>> -> memref<1x640x48xf32, #tpu.memory_space<hbm>>
      %dma_wait3A_24 = tpu.memref_squeeze %dma_wait3A_23 : memref<1x640x48xf32, #tpu.memory_space<hbm>> -> memref<640x48xf32, #tpu.memory_space<hbm>>
      %dma_wait3A_25 = arith.constant 0 : i32
      %dma_wait3A_26 = tpu.memref_slice %arg11[%mul3A_2, %dma_wait3A_25] : memref<10240x48xf32, #tpu.memory_space<vmem_shared>> -> memref<640x48xf32, #tpu.memory_space<vmem_shared>>
      tpu.wait_dma2 semaphore(%run_scoped3A_16 : memref<!tpu.dma_semaphore, #tpu.memory_space<semaphore_mem>>) src(%dma_wait3A_26 : memref<640x48xf32, #tpu.memory_space<vmem_shared>>) dst(%dma_wait3A_24 : memref<640x48xf32, #tpu.memory_space<hbm>>)
      tpu.yield
    }) : () -> ()
    return
  }
}

module attributes {stable_mosaic.version = 14 : i64} {
  func.func @body(%arg0: i32, %arg1: memref<10240x128xf32, #tpu.memory_space<vmem>>, %arg2: memref<2x10240x128xf32, #tpu.memory_space<vmem>>, %arg3: memref<32x10240xf32, #tpu.memory_space<vmem>>, %arg4: memref<128x128xf32, #tpu.memory_space<vmem>>, %arg5: memref<128x128xf32, #tpu.memory_space<vmem>>, %arg6: memref<1x128xf32, #tpu.memory_space<vmem>>, %arg7: memref<128x48xf32, #tpu.memory_space<vmem>>, %arg8: memref<128x48xf32, #tpu.memory_space<vmem>>, %arg9: memref<1x48xf32, #tpu.memory_space<vmem>>, %arg10: memref<10240x48xf32, #tpu.memory_space<vmem>>, %arg11: memref<10240x48xf32, #tpu.memory_space<vmem>>, %arg12: memref<10240x1xf32, #tpu.memory_space<vmem>>) attributes {dimension_semantics = [#tpu.dimension_semantics<arbitrary>], iteration_bounds = array<i64: 1>, scalar_prefetch = 0 : i64, scratch_operands = 0 : i64, tpu.core_type = #tpu.core_type<tc>, window_params = [{transform_indices = @transform_0, window_bounds = array<i64: 10240, 128>}, {transform_indices = @transform_1, window_bounds = array<i64: 2, 10240, 128>}, {transform_indices = @transform_2, window_bounds = array<i64: 32, 10240>}, {pipeline_mode = #tpu.pipeline_mode<synchronous>, transform_indices = @transform_3, window_bounds = array<i64: 128, 128>}, {pipeline_mode = #tpu.pipeline_mode<synchronous>, transform_indices = @transform_4, window_bounds = array<i64: 128, 128>}, {pipeline_mode = #tpu.pipeline_mode<synchronous>, transform_indices = @transform_5, window_bounds = array<i64: 1, 128>}, {pipeline_mode = #tpu.pipeline_mode<synchronous>, transform_indices = @transform_6, window_bounds = array<i64: 128, 48>}, {pipeline_mode = #tpu.pipeline_mode<synchronous>, transform_indices = @transform_7, window_bounds = array<i64: 128, 48>}, {pipeline_mode = #tpu.pipeline_mode<synchronous>, transform_indices = @transform_8, window_bounds = array<i64: 1, 48>}, {transform_indices = @transform_9, window_bounds = array<i64: 10240, 48>}, {transform_indices = @transform_10, window_bounds = array<i64: 10240, 48>}, {transform_indices = @transform_11, window_bounds = array<i64: 10240, 1>}]} {
    %get3A = arith.constant 0 : index
    %get3A_0 = arith.constant 0 : index
    %get3A_1 = vector.load %arg3[%get3A, %get3A_0] : memref<32x10240xf32, #tpu.memory_space<vmem>>, vector<32x10240xf32>
    %reduce_sum3A = arith.constant dense<0.000000e+00> : vector<10240xf32>
    %reduce_sum3A_2 = vector.multi_reduction <add>, %get3A_1, %reduce_sum3A [0] : vector<32x10240xf32> to vector<10240xf32>
    %broadcast_in_dim3A = vector.shape_cast %reduce_sum3A_2 : vector<10240xf32> to vector<1x10240xf32>
    %max3A = arith.constant 1.000000e+00 : f32
    %max3A_3 = vector.broadcast %max3A : f32 to vector<1x10240xf32>
    %max3A_4 = arith.maximumf %broadcast_in_dim3A, %max3A_3 : vector<1x10240xf32>
    %div3A = arith.constant 1.000000e+00 : f32
    %div3A_5 = vector.broadcast %div3A : f32 to vector<1x10240xf32>
    %div3A_6 = arith.divf %div3A_5, %max3A_4 : vector<1x10240xf32>
    %transpose3A = tpu.transpose %div3A_6, [1, 0] : vector<1x10240xf32> -> vector<10240x1xf32>
    %swap3A = arith.constant 0 : index
    %swap3A_7 = arith.constant 0 : index
    %swap3A_8 = vector.load %arg12[%swap3A, %swap3A_7] : memref<10240x1xf32, #tpu.memory_space<vmem>>, vector<10240x1xf32>
    tpu.vector_store %arg12[%swap3A, %swap3A_7], %transpose3A {strides = array<i32>} : memref<10240x1xf32, #tpu.memory_space<vmem>>, vector<10240x1xf32>,
    %get3A_9 = arith.constant 0 : index
    %get3A_10 = arith.constant 0 : index
    %get3A_11 = arith.constant 0 : index
    %get3A_12 = vector.load %arg2[%get3A_9, %get3A_10, %get3A_11] : memref<2x10240x128xf32, #tpu.memory_space<vmem>>, vector<1x10240x128xf32>
    %get3A_13 = vector.shape_cast %get3A_12 : vector<1x10240x128xf32> to vector<10240x128xf32>
    %get3A_14 = arith.constant 1 : index
    %get3A_15 = arith.constant 0 : index
    %get3A_16 = arith.constant 0 : index
    %get3A_17 = vector.load %arg2[%get3A_14, %get3A_15, %get3A_16] : memref<2x10240x128xf32, #tpu.memory_space<vmem>>, vector<1x10240x128xf32>
    %get3A_18 = vector.shape_cast %get3A_17 : vector<1x10240x128xf32> to vector<10240x128xf32>
    %add3A = arith.addf %get3A_13, %get3A_18 : vector<10240x128xf32>
    %mul3A = vector.broadcast %transpose3A : vector<10240x1xf32> to vector<10240x128xf32>
    %mul3A_19 = arith.mulf %add3A, %mul3A : vector<10240x128xf32>
    %get3A_20 = arith.constant 0 : index
    %get3A_21 = arith.constant 0 : index
    %get3A_22 = vector.load %arg1[%get3A_20, %get3A_21] : memref<10240x128xf32, #tpu.memory_space<vmem>>, vector<10240x128xf32>
    %get3A_23 = arith.constant 0 : index
    %get3A_24 = arith.constant 0 : index
    %get3A_25 = vector.load %arg4[%get3A_23, %get3A_24] : memref<128x128xf32, #tpu.memory_space<vmem>>, vector<128x128xf32>
    %dot_general3A = arith.constant dense<0.000000e+00> : vector<10240x128xf32>
    %dot_general3A_26 = tpu.matmul %get3A_22, %get3A_25, %dot_general3A {dimension_numbers = #tpu.dot_dimension_numbers<[1], [0], [0], [1], [0, 0, 1, 1], [], []>, transpose_lhs_hint = false} : vector<10240x128xf32>, vector<128x128xf32>, vector<10240x128xf32> -> vector<10240x128xf32>
    %get3A_27 = arith.constant 0 : index
    %get3A_28 = arith.constant 0 : index
    %get3A_29 = vector.load %arg5[%get3A_27, %get3A_28] : memref<128x128xf32, #tpu.memory_space<vmem>>, vector<128x128xf32>
    %dot_general3A_30 = arith.constant dense<0.000000e+00> : vector<10240x128xf32>
    %dot_general3A_31 = tpu.matmul %mul3A_19, %get3A_29, %dot_general3A_30 {dimension_numbers = #tpu.dot_dimension_numbers<[1], [0], [0], [1], [0, 0, 1, 1], [], []>, transpose_lhs_hint = false} : vector<10240x128xf32>, vector<128x128xf32>, vector<10240x128xf32> -> vector<10240x128xf32>
    %add3A_32 = arith.addf %dot_general3A_26, %dot_general3A_31 : vector<10240x128xf32>
    %get3A_33 = arith.constant 0 : index
    %get3A_34 = arith.constant 0 : index
    %get3A_35 = vector.load %arg6[%get3A_33, %get3A_34] : memref<1x128xf32, #tpu.memory_space<vmem>>, vector<1x128xf32>
    %add3A_36 = vector.broadcast %get3A_35 : vector<1x128xf32> to vector<10240x128xf32>
    %add3A_37 = arith.addf %add3A_32, %add3A_36 : vector<10240x128xf32>
    %max3A_38 = arith.constant 0.000000e+00 : f32
    %max3A_39 = vector.broadcast %max3A_38 : f32 to vector<10240x128xf32>
    %max3A_40 = arith.maximumf %add3A_37, %max3A_39 : vector<10240x128xf32>
    %get3A_41 = arith.constant 0 : index
    %get3A_42 = arith.constant 0 : index
    %get3A_43 = vector.load %arg7[%get3A_41, %get3A_42] : memref<128x48xf32, #tpu.memory_space<vmem>>, vector<128x48xf32>
    %dot_general3A_44 = arith.constant dense<0.000000e+00> : vector<10240x48xf32>
    %dot_general3A_45 = tpu.matmul %max3A_40, %get3A_43, %dot_general3A_44 {dimension_numbers = #tpu.dot_dimension_numbers<[1], [0], [0], [1], [0, 0, 1, 1], [], []>, transpose_lhs_hint = false} : vector<10240x128xf32>, vector<128x48xf32>, vector<10240x48xf32> -> vector<10240x48xf32>
    %get3A_46 = arith.constant 0 : index
    %get3A_47 = arith.constant 0 : index
    %get3A_48 = vector.load %arg9[%get3A_46, %get3A_47] : memref<1x48xf32, #tpu.memory_space<vmem>>, vector<1x48xf32>
    %add3A_49 = vector.broadcast %get3A_48 : vector<1x48xf32> to vector<10240x48xf32>
    %add3A_50 = arith.addf %dot_general3A_45, %add3A_49 : vector<10240x48xf32>
    %swap3A_51 = arith.constant 0 : index
    %swap3A_52 = arith.constant 0 : index
    %swap3A_53 = vector.load %arg10[%swap3A_51, %swap3A_52] : memref<10240x48xf32, #tpu.memory_space<vmem>>, vector<10240x48xf32>
    tpu.vector_store %arg10[%swap3A_51, %swap3A_52], %add3A_50 {strides = array<i32>} : memref<10240x48xf32, #tpu.memory_space<vmem>>, vector<10240x48xf32>,
    %get3A_54 = arith.constant 0 : index
    %get3A_55 = arith.constant 0 : index
    %get3A_56 = vector.load %arg8[%get3A_54, %get3A_55] : memref<128x48xf32, #tpu.memory_space<vmem>>, vector<128x48xf32>
    %dot_general3A_57 = arith.constant dense<0.000000e+00> : vector<10240x48xf32>
    %dot_general3A_58 = tpu.matmul %max3A_40, %get3A_56, %dot_general3A_57 {dimension_numbers = #tpu.dot_dimension_numbers<[1], [0], [0], [1], [0, 0, 1, 1], [], []>, transpose_lhs_hint = false} : vector<10240x128xf32>, vector<128x48xf32>, vector<10240x48xf32> -> vector<10240x48xf32>
    %swap3A_59 = arith.constant 0 : index
    %swap3A_60 = arith.constant 0 : index
    %swap3A_61 = vector.load %arg11[%swap3A_59, %swap3A_60] : memref<10240x48xf32, #tpu.memory_space<vmem>>, vector<10240x48xf32>
    tpu.vector_store %arg11[%swap3A_59, %swap3A_60], %dot_general3A_58 {strides = array<i32>} : memref<10240x48xf32, #tpu.memory_space<vmem>>, vector<10240x48xf32>,
    return
  }
  func.func @transform_0(%arg0: i32) -> (i32, i32) {
    %c0_i32 = arith.constant 0 : i32
    %c0_i32_0 = arith.constant 0 : i32
    return %arg0, %c0_i32 : i32, i32
  }
  func.func @transform_1(%arg0: i32) -> (i32, i32, i32) {
    %c0_i32 = arith.constant 0 : i32
    %c0_i32_0 = arith.constant 0 : i32
    %c0_i32_1 = arith.constant 0 : i32
    return %c0_i32, %arg0, %c0_i32_0 : i32, i32, i32
  }
  func.func @transform_2(%arg0: i32) -> (i32, i32) {
    %c0_i32 = arith.constant 0 : i32
    %c0_i32_0 = arith.constant 0 : i32
    return %c0_i32, %arg0 : i32, i32
  }
  func.func @transform_3(%arg0: i32) -> (i32, i32) {
    %c0_i32 = arith.constant 0 : i32
    %c0_i32_0 = arith.constant 0 : i32
    %c0_i32_1 = arith.constant 0 : i32
    return %c0_i32, %c0_i32_0 : i32, i32
  }
  func.func @transform_4(%arg0: i32) -> (i32, i32) {
    %c0_i32 = arith.constant 0 : i32
    %c0_i32_0 = arith.constant 0 : i32
    %c0_i32_1 = arith.constant 0 : i32
    return %c0_i32, %c0_i32_0 : i32, i32
  }
  func.func @transform_5(%arg0: i32) -> (i32, i32) {
    %c0_i32 = arith.constant 0 : i32
    %c0_i32_0 = arith.constant 0 : i32
    %c0_i32_1 = arith.constant 0 : i32
    return %c0_i32, %c0_i32_0 : i32, i32
  }
  func.func @transform_6(%arg0: i32) -> (i32, i32) {
    %c0_i32 = arith.constant 0 : i32
    %c0_i32_0 = arith.constant 0 : i32
    %c0_i32_1 = arith.constant 0 : i32
    return %c0_i32, %c0_i32_0 : i32, i32
  }
  func.func @transform_7(%arg0: i32) -> (i32, i32) {
    %c0_i32 = arith.constant 0 : i32
    %c0_i32_0 = arith.constant 0 : i32
    %c0_i32_1 = arith.constant 0 : i32
    return %c0_i32, %c0_i32_0 : i32, i32
  }
  func.func @transform_8(%arg0: i32) -> (i32, i32) {
    %c0_i32 = arith.constant 0 : i32
    %c0_i32_0 = arith.constant 0 : i32
    %c0_i32_1 = arith.constant 0 : i32
    return %c0_i32, %c0_i32_0 : i32, i32
  }
  func.func @transform_9(%arg0: i32) -> (i32, i32) {
    %c0_i32 = arith.constant 0 : i32
    %c0_i32_0 = arith.constant 0 : i32
    return %arg0, %c0_i32 : i32, i32
  }
  func.func @transform_10(%arg0: i32) -> (i32, i32) {
    %c0_i32 = arith.constant 0 : i32
    %c0_i32_0 = arith.constant 0 : i32
    return %arg0, %c0_i32 : i32, i32
  }
  func.func @transform_11(%arg0: i32) -> (i32, i32) {
    %c0_i32 = arith.constant 0 : i32
    %c0_i32_0 = arith.constant 0 : i32
    return %arg0, %c0_i32 : i32, i32
  }
}

module attributes {stable_mosaic.version = 14 : i64} {
  func.func @body(%arg0: i32, %arg1: memref<10240x48xf32, #tpu.memory_space<vmem>>, %arg2: memref<2x10240x48xf32, #tpu.memory_space<vmem>>, %arg3: memref<10240x1xf32, #tpu.memory_space<vmem>>, %arg4: memref<10240x48xf32, #tpu.memory_space<vmem>>) attributes {dimension_semantics = [#tpu.dimension_semantics<arbitrary>], iteration_bounds = array<i64: 1>, scalar_prefetch = 0 : i64, scratch_operands = 0 : i64, tpu.core_type = #tpu.core_type<tc>, window_params = [{transform_indices = @transform_0, window_bounds = array<i64: 10240, 48>}, {transform_indices = @transform_1, window_bounds = array<i64: 2, 10240, 48>}, {transform_indices = @transform_2, window_bounds = array<i64: 10240, 1>}, {transform_indices = @transform_3, window_bounds = array<i64: 10240, 48>}]} {
    %get3A = arith.constant 0 : index
    %get3A_0 = arith.constant 0 : index
    %get3A_1 = vector.load %arg1[%get3A, %get3A_0] : memref<10240x48xf32, #tpu.memory_space<vmem>>, vector<10240x48xf32>
    %get3A_2 = arith.constant 0 : index
    %get3A_3 = arith.constant 0 : index
    %get3A_4 = arith.constant 0 : index
    %get3A_5 = vector.load %arg2[%get3A_2, %get3A_3, %get3A_4] : memref<2x10240x48xf32, #tpu.memory_space<vmem>>, vector<1x10240x48xf32>
    %get3A_6 = vector.shape_cast %get3A_5 : vector<1x10240x48xf32> to vector<10240x48xf32>
    %get3A_7 = arith.constant 1 : index
    %get3A_8 = arith.constant 0 : index
    %get3A_9 = arith.constant 0 : index
    %get3A_10 = vector.load %arg2[%get3A_7, %get3A_8, %get3A_9] : memref<2x10240x48xf32, #tpu.memory_space<vmem>>, vector<1x10240x48xf32>
    %get3A_11 = vector.shape_cast %get3A_10 : vector<1x10240x48xf32> to vector<10240x48xf32>
    %add3A = arith.addf %get3A_6, %get3A_11 : vector<10240x48xf32>
    %get3A_12 = arith.constant 0 : index
    %get3A_13 = arith.constant 0 : index
    %get3A_14 = vector.load %arg3[%get3A_12, %get3A_13] : memref<10240x1xf32, #tpu.memory_space<vmem>>, vector<10240x1xf32>
    %mul3A = vector.broadcast %get3A_14 : vector<10240x1xf32> to vector<10240x48xf32>
    %mul3A_15 = arith.mulf %add3A, %mul3A : vector<10240x48xf32>
    %add3A_16 = arith.addf %get3A_1, %mul3A_15 : vector<10240x48xf32>
    %swap3A = arith.constant 0 : index
    %swap3A_17 = arith.constant 0 : index
    %swap3A_18 = vector.load %arg4[%swap3A, %swap3A_17] : memref<10240x48xf32, #tpu.memory_space<vmem>>, vector<10240x48xf32>
    tpu.vector_store %arg4[%swap3A, %swap3A_17], %add3A_16 {strides = array<i32>} : memref<10240x48xf32, #tpu.memory_space<vmem>>, vector<10240x48xf32>,
    return
  }
  func.func @transform_0(%arg0: i32) -> (i32, i32) {
    %c0_i32 = arith.constant 0 : i32
    %c0_i32_0 = arith.constant 0 : i32
    return %arg0, %c0_i32 : i32, i32
  }
  func.func @transform_1(%arg0: i32) -> (i32, i32, i32) {
    %c0_i32 = arith.constant 0 : i32
    %c0_i32_0 = arith.constant 0 : i32
    %c0_i32_1 = arith.constant 0 : i32
    return %c0_i32, %arg0, %c0_i32_0 : i32, i32, i32
  }
  func.func @transform_2(%arg0: i32) -> (i32, i32) {
    %c0_i32 = arith.constant 0 : i32
    %c0_i32_0 = arith.constant 0 : i32
    return %arg0, %c0_i32 : i32, i32
  }
  func.func @transform_3(%arg0: i32) -> (i32, i32) {
    %c0_i32 = arith.constant 0 : i32
    %c0_i32_0 = arith.constant 0 : i32
    return %arg0, %c0_i32 : i32, i32
  }
}

</mosaic_0001>

<sc_bundles>
// kernel: kernel.10.cloned.1.call-start
scs
__scs_entry_jumppad:
0x0: {  	(pc) =	sbr.rel $0x88, $3  }
0x1: {  	(tag) =	ssettag $0x0;
	lr =	simm.s32 $0x1  }
0x2: {  	[smem:$0x3F99] =	sst lr;
	_ =	strace $0xD0000000  }
0x3: {  	_ = 	snop  }
0x4: {  	_ = 	snop  }
0x5: {  	_ = 	snop  }
0x6: {  	_ = 	snop  }
0x7: {  	_ = 	snop  }
__scs_overlays_trampoline_lowered:
0x8: {  	[smem:$0x3FA8] =	sst s0  }
0x9: {  	[smem:$0x3FA9] =	sst s1  }
0xa: {  	[smem:$0x3FAA] =	sst s2  }
0xb: {  	[smem:$0x3FAB] =	sst s3  }
0xc: {  	[smem:$0x3FAC] =	sst s4  }
0xd: {  	[smem:$0x3FAD] =	sst s5  }
0xe: {  	[smem:$0x3FAE] =	sst s6  }
0xf: {  	[smem:$0x3FAF] =	sst s7  }
0x10: {  	[smem:$0x3FB0] =	sst s8  }
0x11: {  	[smem:$0x3FB1] =	sst s9;
	s0 =	simm.s32 @!p0 $0x0  }
0x12: {  	s1 =	sld [smem:$0x3F97];
	s0 =	simm.s32 @p0 $0x1  }
0x13: {  	[smem:$0x3FB2] =	sst s0;
	s0 =	simm.s32 @!p1 $0x0  }
0x14: {  	s2 =	sld [smem:$0x3F96];
	s0 =	simm.s32 @p1 $0x1  }
0x15: {  	[smem:$0x3FB3] =	sst s0;
	s0 =	simm.s32 @!p2 $0x0  }
0x16: {  	s3 =	sld [smem:$0x3FDB];
	s0 =	simm.s32 @p2 $0x1  }
0x17: {  	s4 =	simm.s32 $0x1BF5;
	[smem:$0x3FB5] =	sst s0  }
0x18: {  	s0 =	sld [smem:$0x3F98];
	_ =	swait.ge [sflag:s4], $0x0  }
0x19: {  	s7 =	sld [smem:$0x3F99]  }
0x1a: {  	s8 =	sadd.s32 $0xFFFFE003, lr  }
0x1b: {  	s9 =	sadd.s32 $0xFFFFFEF7, lr;
	s5 =	simm.s32 $0xFFFFFFFF;
	p2 =	slt.u32 s8, $0xFFFFF086  }
0x1c: {  	p1 =	slt.u32 s9, $0xF7A;
	s5 =	simm.s32 @!p2 $0x0  }
0x1d: {  	s5 =	simm.s32 @p1 $0x1;
	p0 =	seq.s32 s7, s2  }
0x1e: {  	s7 =	smul.u32 @!p0 $0xF7A, s2;
	p2 =	seq.s32 @!p0 s5, $0x0  }
0x1f: {  	s9 =	smul.u32 $0xF7A, s1;
	s8 =	simm.s32 @!p0 $0x1BF5;
	p2 =	por !p2, p0  }
0x20: {  	[sflag:s8] =	ssyncset.s32 @!p0 $0xFFFFF086;
	s6 =	sadd.s32 @!p0 s3, s7;
	s7 =	simm.s32 @!p0 $0x108  }
0x21: {  	s3 =	sadd.s32 s3, s9;
	s6 =	sadd.s32 @!p0 $0x88, s6;
	s7 =	simm.s32 @p2 $0x1082  }
0x22: {  	[simem:s7], [sflag:s8] =	dma.local @!p0 [hbm:s6], $0xF7A  }
0x23: {  	s9 =	sor.u32 $0xD0000000, s2;
	s6 =	simm.s32 $0x108;
	_ =	swait.ge @!p0 [sflag:s8], $0x0  }
0x24: {  	s3 =	sadd.s32 $0x88, s3;
	s6 =	simm.s32 @!p1 $0x1082;
	[sflag:s4] =	ssyncset.s32 $0xFFFFF086  }
0x25: {  	[simem:s6], [sflag:s4] =	dma.local [hbm:s3], $0xF7A  }
0x26: {  	[smem:$0x3F99] =	sst s1;
	(tag) =	ssettag s2;
	_ =	strace s9  }
0x27: {  	s1 =	sld [smem:$0x3FA9]  }
0x28: {  	s2 =	sld [smem:$0x3FAA]  }
0x29: {  	s4 =	sld [smem:$0x3FAC]  }
0x2a: {  	p0 =	seq.s32 s5, $0x0;
	s5 =	sld [smem:$0x3FAD]  }
0x2b: {  	s6 =	sld [smem:$0x3FAE]  }
0x2c: {  	s7 =	sld [smem:$0x3FAF]  }
0x2d: {  	s3 =	simm.s32 $0x108;
	s8 =	sld [smem:$0x3FB0]  }
0x2e: {  	s3 =	simm.s32 @!p0 $0x1082;
	s9 =	sld [smem:$0x3FB1]  }
0x2f: {  	lr =	sadd.s32 s0, s3;
	s0 =	sld [smem:$0x3FA8]  }
0x30: {  	s3 =	sld [smem:$0x3FAB]  }
0x31: {  	[smem:$0x3FB4] =	sst s10  }
0x32: {  	s10 =	sld [smem:$0x3FB2];
	_ =	sdelay $0x3  }
0x33: {  	p0 =	seq.s32 s10, $0x1;
	s10 =	sld [smem:$0x3FB4];
	_ =	sdelay $0x3  }
0x34: {  	[smem:$0x3FB4] =	sst s10  }
0x35: {  	s10 =	sld [smem:$0x3FB3];
	_ =	sdelay $0x3  }
0x36: {  	p1 =	seq.s32 s10, $0x1;
	s10 =	sld [smem:$0x3FB4];
	_ =	sdelay $0x3  }
0x37: {  	[smem:$0x3FB4] =	sst s10  }
0x38: {  	s10 =	sld [smem:$0x3FB5]  }
0x39: {  	_ = 	snop;
	(pc) =	sbr.ind lr, $3  }
0x3a: {  	_ = 	snop  }
0x3b: {  	_ = 	snop  }
0x3c: {  	p2 =	seq.s32 s10, $0x1;
	s10 =	sld [smem:$0x3FB4]  }
0x3d: {  	_ =	shalt  }
0x3e: {  	_ =	shalt  }
0x3f: {  	_ =	shalt  }
0x40: {  	_ =	shalt  }
0x41: {  	_ =	shalt  }
0x42: {  	_ =	shalt  }
0x43: {  	_ =	shalt  }
0x44: {  	_ =	shalt  }
0x45: {  	_ =	shalt  }
0x46: {  	_ =	shalt  }
0x47: {  	_ =	shalt  }
0x48: {  	_ =	shalt  }
0x49: {  	_ =	shalt  }
0x4a: {  	_ =	shalt  }
0x4b: {  	_ =	shalt  }
0x4c: {  	_ =	shalt  }
0x4d: {  	_ =	shalt  }
0x4e: {  	_ =	shalt  }
0x4f: {  	_ =	shalt  }
0x50: {  	_ =	shalt  }
0x51: {  	_ =	shalt  }
0x52: {  	_ =	shalt  }
0x53: {  	_ =	shalt  }
0x54: {  	_ =	shalt  }
0x55: {  	_ =	shalt  }
0x56: {  	_ =	shalt  }
0x57: {  	_ =	shalt  }
0x58: {  	_ =	shalt  }
0x59: {  	_ =	shalt  }
0x5a: {  	_ =	shalt  }
0x5b: {  	_ =	shalt  }
0x5c: {  	_ =	shalt  }
0x5d: {  	_ =	shalt  }
0x5e: {  	_ =	shalt  }
0x5f: {  	_ =	shalt  }
0x60: {  	_ =	shalt  }
0x61: {  	_ =	shalt  }
0x62: {  	_ =	shalt  }
0x63: {  	_ =	shalt  }
0x64: {  	_ =	shalt  }
0x65: {  	_ =	shalt  }
0x66: {  	_ =	shalt  }
0x67: {  	_ =	shalt  }
0x68: {  	_ =	shalt  }
0x69: {  	_ =	shalt  }
0x6a: {  	_ =	shalt  }
0x6b: {  	_ =	shalt  }
0x6c: {  	_ =	shalt  }
0x6d: {  	_ =	shalt  }
0x6e: {  	_ =	shalt  }
0x6f: {  	_ =	shalt  }
0x70: {  	_ =	shalt  }
0x71: {  	_ =	shalt  }
0x72: {  	_ =	shalt  }
0x73: {  	_ =	shalt  }
0x74: {  	_ =	shalt  }
0x75: {  	_ =	shalt  }
0x76: {  	_ =	shalt  }
0x77: {  	_ =	shalt  }
0x78: {  	_ =	shalt  }
0x79: {  	_ =	shalt  }
0x7a: {  	_ =	shalt  }
0x7b: {  	_ =	shalt  }
0x7c: {  	_ =	shalt  }
0x7d: {  	_ =	shalt  }
0x7e: {  	_ =	shalt  }
0x7f: {  	_ =	shalt  }
0x80: {  	_ =	shalt  }
0x81: {  	_ =	shalt  }
0x82: {  	_ =	shalt  }
0x83: {  	_ =	shalt  }
0x84: {  	_ =	shalt  }
0x85: {  	_ =	shalt  }
0x86: {  	_ =	shalt  }
0x87: {  	_ =	shalt  }
.Lfunc_end0:
.L_simem_size_0:
called_computation.1_lowered:
.L_overlay_start_0:
0x88: {  	s2 =	sld [smem:$0x3FD9]  }
0x89: {  	s3 =	sld [smem:$0x3FFE];
	_ =	sdelay $0x1  }
0x8a: {  	s1 =	srdreg.scid  }
0x8b: {  	s0 =	sand.u32 $0x1, s1  }
0x8c: {  	s17 =	sshll.u32 s0, $0xA;
	s2 =	sadd.s32 s3, s2  }
0x8d: {  	s2 =	sadd.s32 s2, s17  }
0x8e: {  	[smem:$0x3FC0] =	sst s2  }
0x8f: {  	_ = 	snop  }
0x90: {  	s18 =	sld [smem:$0x3FD0];
	(tm) =	ssettm $0x1  }
0x91: {  	s19 =	sld [smem:$0x3FFB];
	_ =	sdelay $0x3  }
0x92: {  	_ =	strace s19  }
0x93: {  	s2 =	sld [smem:$0x3FFC];
	_ =	sdelay $0x3  }
0x94: {  	_ =	strace s2  }
0x95: {  	s2 =	sld [smem:$0x3FFD];
	_ =	sdelay $0x3  }
0x96: {  	_ =	strace s2  }
0x97: {  	_ =	strace $0x8FFFFFFF  }
0x98: {  	s20 =	sld [smem:$0x3FDB];
	_ =	sdelay $0x1  }
0x99: {  	s4 =	simm.s32 $_scs_section_size  }
0x9a: {  	s5 =	simm.s32 $_size__tile_overlayer_lowered;
	s6 =	simm.s32 $_tile_overlayer_lowered  }
0x9b: {  	s7 =	simm.s32 $0x1BFF;
	s21 =	sshll.u32 s6, $0x1;
	s4 =	sadd.s32 s4, s20  }
0x9c: {  	s22 =	simm.s32 $0x0;
	s5 =	sshll.u32 s5, $0x1;
	s6 =	sadd.s32 s21, s4  }
0x9d: {  	[timem:s22], [sflag:s7] =	dma.local [hbm:s6], s5  }
0x9e: {  	_ =	swait.ge [sflag:s7], s5  }
0x9f: {  	s5 =	ssub.s32 $0x0, s5;
	[sflag:s7] =	ssyncset.done $0x0  }
0xa0: {  	[sflag:s7] =	ssyncadd.s32 s5;
	_ =	sdelay $0x1  }
0xa1: {  	s23 =	simm.s32 $0x1B8B  }
0xa2: {  	_ =	swait.ge [sflag:s23], $0x1  }
0xa3: {  	[sflag:s23] =	ssyncset.done $0x0  }
0xa4: {  	[sflag:s23] =	ssyncadd.s32 $0xFFFFFFFF  }
0xa5: {  	s5 =	sld [smem:$0x0]  }
0xa6: {  	s6 =	sand.u32 $0xFFFFFFFE, s1  }
0xa7: {  	p0 =	sne.s32 s1, s6  }
0xa8: {  	s6 =	sshll.u32 @p0 s6, $0xE  }
0xa9: {  	s6 =	sadd.s32 @p0 $0x11B8D, s6;
	s7 =	sshll.u32 @p0 s5, $0x11  }
0xaa: {  	s6 =	sor.u32 @p0 s7, s6  }
0xab: {  	[sflag:s6] =	ssyncadd.remote.s32 @p0 $0x1;
	_ =	sdelay $0x1  }
0xac: {  	s6 =	simm.s32 @p0 $0x1B8D  }
0xad: {  	_ =	swait.eq @p0 [sflag:s6], $0x1  }
0xae: {  	[sflag:s6] =	ssyncadd.s32 @p0 $0xFFFFFFFF  }
0xaf: {  	s7 =	sshll.u32 @!p0 s1, $0xE  }
0xb0: {  	s7 =	sor.u32 @!p0 $0x4000, s7;
	s6 =	simm.s32 @!p0 $0x1B8D  }
0xb1: {  	s5 =	sshll.u32 @!p0 s5, $0x11;
	s7 =	sadd.s32 @!p0 $0x11B8D, s7;
	_ =	swait.eq @!p0 [sflag:s6], $0x1  }
0xb2: {  	s5 =	sor.u32 @!p0 s5, s7;
	[sflag:s6] =	ssyncadd.s32 @!p0 $0xFFFFFFFF  }
0xb3: {  	s25 =	simm.s32 $0x1B8E;
	s24 =	sld [smem:$0x3FFE];
	[sflag:s5] =	ssyncadd.remote.s32 @!p0 $0x1  }
0xb4: {  	s26 =	simm.s32 $execute0_lowered;
	[smem:$0x3FD2] =	sst s25  }
0xb5: {  	s6 =	sshll.u32 s26, $0x1;
	_ =	strace $0x80000049;
	[dreg:$0x1] =	wrdreg $0xFFFFFFFF  }
0xb6: {  	s28 =	simm.s32 $_size_execute0_lowered;
	s4 =	sadd.s32 s4, s6;
	[dreg:$0x0] =	wrdreg $0x0  }
0xb7: {  	s6 =	sshll.u32 s28, $0x1;
	[dreg:$0x2] =	wrdreg s4  }
0xb8: {  	[dreg:$0x3] =	wrdreg s6  }
0xb9: {  	[dreg:$0x4] =	wrdreg $0xC0  }
0xba: {  	_ =	task [dreg:s22], $0x5FFFF  }
0xbb: {  	[dreg:$0x1] =	wrdreg $0xFFFFFFFF  }
0xbc: {  	[dreg:$0x0] =	wrdreg $0x60  }
0xbd: {  	[dreg:$0x2] =	wrdreg s24  }
0xbe: {  	[dreg:$0x3] =	wrdreg s18  }
0xbf: {  	[dreg:$0x4] =	wrdreg $0xA  }
0xc0: {  	_ =	task.clear_ibuf [dreg:s22], $0x5FFFF;
	_ =	strace $0x90000049  }
0xc1: {  	s29 =	simm.s32 $0xA;
	_ =	strace $0x8000004B  }
0xc2: {  	_ =	swait.ge [sflag:s29], $0x1  }
0xc3: {  	[sflag:s29] =	ssyncadd.s32 $0xFFFFFFFF  }
0xc4: {  	_ =	strace $0x9000004B  }
0xc5: {  	_ =	sfence  }
0xc6: {  	s30 =	sld [smem:$0x0];
	_ =	sdelay $0x2  }
0xc7: {  	s31 =	sshll.u32 s1, $0xD;
	s1 =	sshrl.u32 s1, $0x2  }
0xc8: {  	s4 =	sand.u32 $0x4000, s31;
	s1 =	sadd.s32 s1, s30  }
0xc9: {  	s0 =	sor.u32 s4, s0;
	s1 =	sshll.u32 s1, $0x11  }
0xca: {  	s0 =	sor.u32 s1, s0  }
0xcb: {  	s0 =	sadd.s32 $0x8F2B, s0  }
0xcc: {  	[sflag:s0] =	ssyncadd.remote.s32 $0x1  }
0xcd: {  	_ =	sfence.sel $0xFFFF  }
0xce: {  	[dreg:$0x0] =	wrdreg $0xFFFFFFFF;
	(pc) =	sbr.abs _section_cstart, $3  }
0xcf: {  	[dreg:$0x1] =	wrdreg $0xFFFFFFFF  }
0xd0: {  	_ =	task.clear_ibuf [dreg:s22], $0x2FFFF;
	_ =	strace $0x9FFFFFFF  }
0xd1: {  	(tm) =	ssettm $0x7FFFFFFF  }
tec
execute0_lowered:
.L_overlay_start_1:
0x0: {  	(tag) =	ssettag $0x1  }
0x1: {  	s0 =	srdreg.scid  }
0x2: {  	s3 =	sand.u32 $0x1, s0  }
0x3: {  	s4 =	rddreg [dreg:$0x0];
	s0 =	stileid.u32;
	s1 =	sshll.u32 s3, $0x4  }
0x4: {  	s5 =	rddreg [dreg:$0x1];
	s9 =	simm.s32 $0x2780;
	s2 =	sor.u32 s0, s1  }
0x5: {  	s10 =	simm.s32 $0x0;
	s7 =	sshll.u32 s0, $0x7;
	s6 =	sshrl.u32 s2, $0x3  }
0x6: {  	s3 =	ssub.s32 $0x2, s3;
	s1 =	rddreg [dreg:$0x2];
	s8 =	smul.u32 $0x13C00, s6  }
0x7: {  	s7 =	sand.u32 $0x380, s7;
	s2 =	simm.s32 $0x0;
	s6 =	smul.u32 $0x14000, s6  }
0x8: {  	s31 =	sshrl.u32 s3, $0x1;
	[smem:$0x7FF] =	sst s2;
	s8 =	sor.u32 s7, s8  }
0x9: {  	_ =	strace $0x8000004A;
	s6 =	sor.u32 s7, s6;
	s8 =	sshrl.u32 s8, $0x3  }
0xa: {  	s7 =	ssub.s32 s3, s31;
	s6 =	sshrl.u32 s6, $0x3;
	s4 =	sadd.s32 s8, s4  }
0xb: {  	s8 =	simm.s32 $0x1;
	s3 =	sadd.s32 $0xA7A00, s4;
	s4 =	sadd.s32 s5, s6  }
0xc: {  	v0 =	vimm.f32 $0.0e+00;
	v1 =	vimm.f32 $1.000000000e+00;
	s5 =	smax.u32 s7, $0x1;
	s6 =	simm.s32 $0x80;
	s7 =	simm.s32 $0x400  }
.LBB2_1:
0xd: {  	[tilespmem:s2], [sflag:$0x1] =	stream.strided.gather [hbm4b:s3+s6], $0x2780, s7, s6, $0x38;
	[tilespmem:$0x4F80] =	vst v63  }
0xe: {  	_ =	swait.ge [sflag:s8], $0x2780  }
0xf: {  	[sflag:s8] =	ssyncset.done $0x0  }
0x10: {  	s11 =	simm.s32 $0x0;
	[sflag:s8] =	ssyncadd.s32 $0xFFFFD880  }
.LBB2_2:
0x11: {  	p0 =	sne.s32 s11, $0x9FC0  }
.Ltmp0:
0x12: {  	_ = 	snop;
	(pc) =	sbr.rel @p0 .LBB2_2-.Ltmp0, $3  }
0x13: {  	_ =	sdelay $0x1  }
0x14: {  	s12 =	sshra.s32 s11, $0x2  }
0x15: {  	s11 =	sadd.s32 $0x40, s11;
	[tilespmem:s12+$0x2780] =	vst v0  }
0x16: {  	s12 =	simm.s32 $0x0;
	s11 =	simm.s32 $0x40  }
.LBB2_4:
0x17: {  	p0 =	sne.s32 s11, $0x9C00;
	v2 =	vld [tilespmem:s12+$0x0];
	_ =	sdelay $0x3  }
.Ltmp1:
0x18: {  	(pc) =	sbr.rel @p0 .LBB2_4-.Ltmp1, $2  }
0x19: {  	_ =	sdelay $0x2  }
0x1a: {  	s12 =	sshra.s32 s11, $0x2;
	s11 =	sadd.s32 $0x40, s11;
	[tilespmem:v2+s9+$0x0] =	vst.idx.add.f32.msk $0xffff, v1  }
0x1b: {  	v2 =	vld [tilespmem:s12+$0x0];
	_ =	sdelay $0x5  }
0x1c: {  	s10 =	sadd.s32 $0x1, s10  }
0x1d: {  	p0 =	sne.s32 s10, s5  }
.Ltmp2:
0x1e: {  	[tilespmem:v2+s9+$0x0] =	vst.idx.add.f32.msk $0xffff, v1;
	(pc) =	sbr.rel @p0 .LBB2_1-.Ltmp2, $4  }
0x1f: {  	[hbm4b:s4+s6] =	stream.strided.scatter [tilespmem:s9], [sflag:$0x1], $0x2800, s7, s6, $0x38;
	[tilespmem:$0x4F80] =	vst v63  }
0x20: {  	_ =	swait.ge [sflag:s8], $0x2800  }
0x21: {  	[sflag:s8] =	ssyncset.done $0x0  }
0x22: {  	[sflag:s8] =	ssyncadd.s32 $0xFFFFD800  }
0x23: {  	_ =	sfence.sel $0x180000  }
0x24: {  	[bflag:$0x0] =	sbarrier.arrive $0xFFFF  }
0x25: {  	p0 =	sne.s32 s0, $0x0;
	_ =	strace $0x9000004A  }
0x26: {  	s0 =	sadd.s32 @!p0 $0x100000, s1;
	[bflag:$0x2] =	sbarrier.arrive $0xFFFF  }
0x27: {  	[sflag:s0] =	ssyncadd.tile.s32 @!p0 $0x1;
	_ =	shalt  }
.Lfunc_end2:
_tile_overlayer_lowered:
.L_overlay_start_2:
0x28: {  	(tag) =	ssettag $0x2  }
0x29: {  	s0 =	rddreg [dreg:$0x0];
	s2 =	stileid.u32  }
0x2a: {  	s1 =	rddreg [dreg:$0x1];
	p0 =	sne.s32 s2, $0x0  }
0x2b: {  	s3 =	rddreg [dreg:$0x2];
	[bflag:$0x3] =	sbarrier.arrive $0xFFFF;
	s2 =	simm.s32 @!p0 $0x1C01  }
0x2c: {  	[timem:s3], [sflag:s2] =	dma.local @!p0 [hbm:s0], s1  }
0x2d: {  	s0 =	simm.s32 @!p0 $0x1  }
0x2e: {  	_ =	swait.ge @!p0 [sflag:s0], s1  }
0x2f: {  	s1 =	ssub.s32 @!p0 $0x0, s1;
	[sflag:s0] =	ssyncset.done @!p0 $0x0  }
0x30: {  	[sflag:s0] =	ssyncadd.s32 @!p0 s1  }
0x31: {  	[bflag:$0x3] =	sbarrier.arrive $0xFFFF  }
0x32: {  	_ =	shalt  }

// kernel: kernel.13.cloned.1.call-start
scs
__scs_entry_jumppad:
0x0: {  	(pc) =	sbr.rel $0x88, $3  }
0x1: {  	(tag) =	ssettag $0x0;
	lr =	simm.s32 $0x1  }
0x2: {  	[smem:$0x3F99] =	sst lr;
	_ =	strace $0xD0000000  }
0x3: {  	_ = 	snop  }
0x4: {  	_ = 	snop  }
0x5: {  	_ = 	snop  }
0x6: {  	_ = 	snop  }
0x7: {  	_ = 	snop  }
__scs_overlays_trampoline_lowered:
0x8: {  	[smem:$0x3FA8] =	sst s0  }
0x9: {  	[smem:$0x3FA9] =	sst s1  }
0xa: {  	[smem:$0x3FAA] =	sst s2  }
0xb: {  	[smem:$0x3FAB] =	sst s3  }
0xc: {  	[smem:$0x3FAC] =	sst s4  }
0xd: {  	[smem:$0x3FAD] =	sst s5  }
0xe: {  	[smem:$0x3FAE] =	sst s6  }
0xf: {  	[smem:$0x3FAF] =	sst s7  }
0x10: {  	[smem:$0x3FB0] =	sst s8  }
0x11: {  	[smem:$0x3FB1] =	sst s9;
	s0 =	simm.s32 @!p0 $0x0  }
0x12: {  	s1 =	sld [smem:$0x3F97];
	s0 =	simm.s32 @p0 $0x1  }
0x13: {  	[smem:$0x3FB2] =	sst s0;
	s0 =	simm.s32 @!p1 $0x0  }
0x14: {  	s2 =	sld [smem:$0x3F96];
	s0 =	simm.s32 @p1 $0x1  }
0x15: {  	[smem:$0x3FB3] =	sst s0;
	s0 =	simm.s32 @!p2 $0x0  }
0x16: {  	s3 =	sld [smem:$0x3FDB];
	s0 =	simm.s32 @p2 $0x1  }
0x17: {  	s4 =	simm.s32 $0x1BF5;
	[smem:$0x3FB5] =	sst s0  }
0x18: {  	s0 =	sld [smem:$0x3F98];
	_ =	swait.ge [sflag:s4], $0x0  }
0x19: {  	s7 =	sld [smem:$0x3F99]  }
0x1a: {  	s8 =	sadd.s32 $0xFFFFE003, lr  }
0x1b: {  	s9 =	sadd.s32 $0xFFFFFEF7, lr;
	s5 =	simm.s32 $0xFFFFFFFF;
	p2 =	slt.u32 s8, $0xFFFFF086  }
0x1c: {  	p1 =	slt.u32 s9, $0xF7A;
	s5 =	simm.s32 @!p2 $0x0  }
0x1d: {  	s5 =	simm.s32 @p1 $0x1;
	p0 =	seq.s32 s7, s2  }
0x1e: {  	s7 =	smul.u32 @!p0 $0xF7A, s2;
	p2 =	seq.s32 @!p0 s5, $0x0  }
0x1f: {  	s9 =	smul.u32 $0xF7A, s1;
	s8 =	simm.s32 @!p0 $0x1BF5;
	p2 =	por !p2, p0  }
0x20: {  	[sflag:s8] =	ssyncset.s32 @!p0 $0xFFFFF086;
	s6 =	sadd.s32 @!p0 s3, s7;
	s7 =	simm.s32 @!p0 $0x108  }
0x21: {  	s3 =	sadd.s32 s3, s9;
	s6 =	sadd.s32 @!p0 $0x88, s6;
	s7 =	simm.s32 @p2 $0x1082  }
0x22: {  	[simem:s7], [sflag:s8] =	dma.local @!p0 [hbm:s6], $0xF7A  }
0x23: {  	s9 =	sor.u32 $0xD0000000, s2;
	s6 =	simm.s32 $0x108;
	_ =	swait.ge @!p0 [sflag:s8], $0x0  }
0x24: {  	s3 =	sadd.s32 $0x88, s3;
	s6 =	simm.s32 @!p1 $0x1082;
	[sflag:s4] =	ssyncset.s32 $0xFFFFF086  }
0x25: {  	[simem:s6], [sflag:s4] =	dma.local [hbm:s3], $0xF7A  }
0x26: {  	[smem:$0x3F99] =	sst s1;
	(tag) =	ssettag s2;
	_ =	strace s9  }
0x27: {  	s1 =	sld [smem:$0x3FA9]  }
0x28: {  	s2 =	sld [smem:$0x3FAA]  }
0x29: {  	s4 =	sld [smem:$0x3FAC]  }
0x2a: {  	p0 =	seq.s32 s5, $0x0;
	s5 =	sld [smem:$0x3FAD]  }
0x2b: {  	s6 =	sld [smem:$0x3FAE]  }
0x2c: {  	s7 =	sld [smem:$0x3FAF]  }
0x2d: {  	s3 =	simm.s32 $0x108;
	s8 =	sld [smem:$0x3FB0]  }
0x2e: {  	s3 =	simm.s32 @!p0 $0x1082;
	s9 =	sld [smem:$0x3FB1]  }
0x2f: {  	lr =	sadd.s32 s0, s3;
	s0 =	sld [smem:$0x3FA8]  }
0x30: {  	s3 =	sld [smem:$0x3FAB]  }
0x31: {  	[smem:$0x3FB4] =	sst s10  }
0x32: {  	s10 =	sld [smem:$0x3FB2];
	_ =	sdelay $0x3  }
0x33: {  	p0 =	seq.s32 s10, $0x1;
	s10 =	sld [smem:$0x3FB4];
	_ =	sdelay $0x3  }
0x34: {  	[smem:$0x3FB4] =	sst s10  }
0x35: {  	s10 =	sld [smem:$0x3FB3];
	_ =	sdelay $0x3  }
0x36: {  	p1 =	seq.s32 s10, $0x1;
	s10 =	sld [smem:$0x3FB4];
	_ =	sdelay $0x3  }
0x37: {  	[smem:$0x3FB4] =	sst s10  }
0x38: {  	s10 =	sld [smem:$0x3FB5]  }
0x39: {  	_ = 	snop;
	(pc) =	sbr.ind lr, $3  }
0x3a: {  	_ = 	snop  }
0x3b: {  	_ = 	snop  }
0x3c: {  	p2 =	seq.s32 s10, $0x1;
	s10 =	sld [smem:$0x3FB4]  }
0x3d: {  	_ =	shalt  }
0x3e: {  	_ =	shalt  }
0x3f: {  	_ =	shalt  }
0x40: {  	_ =	shalt  }
0x41: {  	_ =	shalt  }
0x42: {  	_ =	shalt  }
0x43: {  	_ =	shalt  }
0x44: {  	_ =	shalt  }
0x45: {  	_ =	shalt  }
0x46: {  	_ =	shalt  }
0x47: {  	_ =	shalt  }
0x48: {  	_ =	shalt  }
0x49: {  	_ =	shalt  }
0x4a: {  	_ =	shalt  }
0x4b: {  	_ =	shalt  }
0x4c: {  	_ =	shalt  }
0x4d: {  	_ =	shalt  }
0x4e: {  	_ =	shalt  }
0x4f: {  	_ =	shalt  }
0x50: {  	_ =	shalt  }
0x51: {  	_ =	shalt  }
0x52: {  	_ =	shalt  }
0x53: {  	_ =	shalt  }
0x54: {  	_ =	shalt  }
0x55: {  	_ =	shalt  }
0x56: {  	_ =	shalt  }
0x57: {  	_ =	shalt  }
0x58: {  	_ =	shalt  }
0x59: {  	_ =	shalt  }
0x5a: {  	_ =	shalt  }
0x5b: {  	_ =	shalt  }
0x5c: {  	_ =	shalt  }
0x5d: {  	_ =	shalt  }
0x5e: {  	_ =	shalt  }
0x5f: {  	_ =	shalt  }
0x60: {  	_ =	shalt  }
0x61: {  	_ =	shalt  }
0x62: {  	_ =	shalt  }
0x63: {  	_ =	shalt  }
0x64: {  	_ =	shalt  }
0x65: {  	_ =	shalt  }
0x66: {  	_ =	shalt  }
0x67: {  	_ =	shalt  }
0x68: {  	_ =	shalt  }
0x69: {  	_ =	shalt  }
0x6a: {  	_ =	shalt  }
0x6b: {  	_ =	shalt  }
0x6c: {  	_ =	shalt  }
0x6d: {  	_ =	shalt  }
0x6e: {  	_ =	shalt  }
0x6f: {  	_ =	shalt  }
0x70: {  	_ =	shalt  }
0x71: {  	_ =	shalt  }
0x72: {  	_ =	shalt  }
0x73: {  	_ =	shalt  }
0x74: {  	_ =	shalt  }
0x75: {  	_ =	shalt  }
0x76: {  	_ =	shalt  }
0x77: {  	_ =	shalt  }
0x78: {  	_ =	shalt  }
0x79: {  	_ =	shalt  }
0x7a: {  	_ =	shalt  }
0x7b: {  	_ =	shalt  }
0x7c: {  	_ =	shalt  }
0x7d: {  	_ =	shalt  }
0x7e: {  	_ =	shalt  }
0x7f: {  	_ =	shalt  }
0x80: {  	_ =	shalt  }
0x81: {  	_ =	shalt  }
0x82: {  	_ =	shalt  }
0x83: {  	_ =	shalt  }
0x84: {  	_ =	shalt  }
0x85: {  	_ =	shalt  }
0x86: {  	_ =	shalt  }
0x87: {  	_ =	shalt  }
.Lfunc_end0:
.L_simem_size_0:
called_computation.2_lowered:
.L_overlay_start_0:
0x88: {  	s2 =	sld [smem:$0x3FD9]  }
0x89: {  	s3 =	sld [smem:$0x3FFE];
	_ =	sdelay $0x1  }
0x8a: {  	s1 =	srdreg.scid  }
0x8b: {  	s0 =	sand.u32 $0x1, s1  }
0x8c: {  	s16 =	sshll.u32 s0, $0xA;
	s2 =	sadd.s32 s3, s2  }
0x8d: {  	s2 =	sadd.s32 s2, s16  }
0x8e: {  	[smem:$0x3FC0] =	sst s2  }
0x8f: {  	_ = 	snop  }
0x90: {  	(tm) =	ssettm $0x1  }
0x91: {  	s17 =	sld [smem:$0x3FFB];
	_ =	sdelay $0x3  }
0x92: {  	_ =	strace s17  }
0x93: {  	s2 =	sld [smem:$0x3FFC];
	_ =	sdelay $0x3  }
0x94: {  	_ =	strace s2  }
0x95: {  	s2 =	sld [smem:$0x3FFD];
	_ =	sdelay $0x3  }
0x96: {  	_ =	strace s2  }
0x97: {  	_ =	strace $0x8FFFFFFF  }
0x98: {  	s18 =	sld [smem:$0x3FDB];
	_ =	sdelay $0x1  }
0x99: {  	s19 =	simm.s32 $_scs_section_size  }
0x9a: {  	s4 =	simm.s32 $_size__tile_overlayer_lowered;
	s5 =	simm.s32 $_tile_overlayer_lowered  }
0x9b: {  	s22 =	simm.s32 $0x1BFF;
	s21 =	sshll.u32 s5, $0x1;
	s2 =	sadd.s32 s19, s18  }
0x9c: {  	s6 =	simm.s32 $0x0;
	s20 =	sshll.u32 s4, $0x1;
	s4 =	sadd.s32 s21, s2  }
0x9d: {  	[timem:s6], [sflag:s22] =	dma.local [hbm:s4], s20  }
0x9e: {  	_ =	swait.ge [sflag:s22], s20  }
0x9f: {  	s3 =	ssub.s32 $0x0, s20;
	[sflag:s22] =	ssyncset.done $0x0  }
0xa0: {  	[sflag:s22] =	ssyncadd.s32 s3;
	_ =	sdelay $0x1  }
0xa1: {  	s23 =	simm.s32 $0x1B8B  }
0xa2: {  	_ =	swait.ge [sflag:s23], $0x1  }
0xa3: {  	[sflag:s23] =	ssyncset.done $0x0  }
0xa4: {  	s25 =	simm.s32 $0x1B8E;
	s24 =	sld [smem:$0x3FFE];
	[sflag:s23] =	ssyncadd.s32 $0xFFFFFFFF  }
0xa5: {  	s26 =	simm.s32 $execute0_lowered;
	[smem:$0x3FD2] =	sst s25  }
0xa6: {  	s4 =	sshll.u32 s26, $0x1;
	_ =	strace $0x8000004C;
	[dreg:$0x1] =	wrdreg $0xFFFFFFFF  }
0xa7: {  	s28 =	simm.s32 $_size_execute0_lowered;
	s2 =	sadd.s32 s2, s4;
	[dreg:$0x0] =	wrdreg $0x0  }
0xa8: {  	s4 =	sshll.u32 s28, $0x1;
	[dreg:$0x2] =	wrdreg s2  }
0xa9: {  	[dreg:$0x3] =	wrdreg s4  }
0xaa: {  	[dreg:$0x4] =	wrdreg $0xC0  }
0xab: {  	_ =	task [dreg:s6], $0x5FFFF  }
0xac: {  	[dreg:$0x1] =	wrdreg $0xFFFFFFFF  }
0xad: {  	[dreg:$0x0] =	wrdreg $0x60  }
0xae: {  	[dreg:$0x2] =	wrdreg s24  }
0xaf: {  	[dreg:$0x3] =	wrdreg $0x6C200  }
0xb0: {  	[dreg:$0x4] =	wrdreg $0x9  }
0xb1: {  	_ =	task.clear_ibuf [dreg:s6], $0x5FFFF;
	_ =	strace $0x9000004C  }
0xb2: {  	s29 =	simm.s32 $0x9;
	_ =	strace $0x8000004E  }
0xb3: {  	_ =	swait.ge [sflag:s29], $0x1  }
0xb4: {  	[sflag:s29] =	ssyncadd.s32 $0xFFFFFFFF  }
0xb5: {  	_ =	strace $0x9000004E  }
0xb6: {  	_ =	sfence  }
0xb7: {  	s30 =	sld [smem:$0x0];
	_ =	sdelay $0x2  }
0xb8: {  	s31 =	sshll.u32 s1, $0xD;
	s1 =	sshrl.u32 s1, $0x2  }
0xb9: {  	s3 =	sand.u32 $0x4000, s31;
	s1 =	sadd.s32 s1, s30  }
0xba: {  	s0 =	sor.u32 s3, s0;
	s1 =	sshll.u32 s1, $0x11  }
0xbb: {  	s0 =	sor.u32 s1, s0  }
0xbc: {  	s0 =	sadd.s32 $0x8F2B, s0  }
0xbd: {  	[sflag:s0] =	ssyncadd.remote.s32 $0x1  }
0xbe: {  	_ =	sfence.sel $0xFFFF  }
0xbf: {  	[dreg:$0x0] =	wrdreg $0xFFFFFFFF;
	(pc) =	sbr.abs _section_cstart, $3  }
0xc0: {  	[dreg:$0x1] =	wrdreg $0xFFFFFFFF  }
0xc1: {  	_ =	task.clear_ibuf [dreg:s6], $0x2FFFF;
	_ =	strace $0x9FFFFFFF  }
0xc2: {  	(tm) =	ssettm $0x7FFFFFFF  }
0xc3: {  	_ =	shalt  }
tec
execute0_lowered:
.L_overlay_start_1:
0x0: {  	(tag) =	ssettag $0x1  }
0x1: {  	s6 =	rddreg [dreg:$0x0]  }
0x2: {  	s0 =	srdreg.scid;
	s2 =	rddreg [dreg:$0x1]  }
0x3: {  	s3 =	simm.s32 $0x0;
	s14 =	simm.s32 $0x50;
	s15 =	simm.s32 $0x4E20  }
0x4: {  	s16 =	simm.s32 $0x5D20;
	s17 =	simm.s32 $0x1;
	s18 =	simm.s32 $0x2  }
0x5: {  	s19 =	simm.s32 $0x4DD0;
	s5 =	sand.u32 $0x1, s0;
	s0 =	stileid.u32  }
0x6: {  	s20 =	simm.s32 $0x0;
	[smem:$0x7FF] =	sst s3;
	s8 =	smul.u32 $0x7800, s0  }
0x7: {  	s4 =	sadd.s32 $0x15C00, s6;
	s1 =	sshll.u32 s5, $0x4;
	s9 =	smul.u32 $0x78000, s5  }
0x8: {  	s5 =	ssub.s32 $0x2, s5;
	s12 =	sshll.u32 s0, $0x6;
	s1 =	sor.u32 s0, s1  }
0x9: {  	s11 =	sshrl.u32 s5, $0x1;
	s12 =	sor.u32 $0x1C03, s12;
	s7 =	smul.u32 $0x4E2, s1  }
0xa: {  	s1 =	rddreg [dreg:$0x2];
	_ =	strace $0x8000004D;
	s9 =	sadd.s32 s8, s9  }
0xb: {  	s10 =	sshrl.u32 s8, $0x3;
	s11 =	ssub.s32 s5, s11;
	s13 =	sadd.s32 s8, s2  }
0xc: {  	s9 =	sshrl.u32 s9, $0x3;
	s10 =	sadd.s32 s10, s6;
	s7 =	sadd.s32 s7, s6  }
0xd: {  	s13 =	sshrl.u32 s13, $0x3;
	s9 =	sadd.s32 s9, s6;
	s5 =	sadd.s32 $0x2000, s7  }
0xe: {  	s6 =	sadd.s32 $0xBE00, s7;
	s7 =	sadd.s32 $0x24C00, s10;
	s8 =	sadd.s32 $0x33C00, s9  }
0xf: {  	s9 =	smax.u32 s11, $0x1;
	s10 =	simm.s32 $0x3;
	s11 =	simm.s32 $0x2710  }
.LBB2_1:
0x10: {  	[tilespmem:s3], [sflag:$0x3] =	stream.linear.gather [hbm4b:s5+s3], $0x2710, $0x38;
	[tilespmem:$0xE420] =	vst v63  }
0x11: {  	_ =	swait.ge [sflag:s10], $0x2710  }
0x12: {  	[sflag:s10] =	ssyncset.done $0x0  }
0x13: {  	[sflag:s10] =	ssyncadd.s32 $0xFFFFD8F0  }
0x14: {  	[tilespmem:s11], [sflag:$0x3] =	stream.linear.gather [hbm4b:s6+s3], $0x2710, $0x38;
	[tilespmem:$0xE420] =	vst v63  }
0x15: {  	_ =	swait.ge [sflag:s10], $0x2710  }
0x16: {  	[sflag:s10] =	ssyncset.done $0x0  }
0x17: {  	[sflag:s10] =	ssyncadd.s32 $0xFFFFD8F0  }
0x18: {  	[spmem:s13], [sflag:s12] =	dma.local [hbm:s7], $0xF00  }
0x19: {  	_ =	swait.ge [sflag:s10], $0xF00  }
0x1a: {  	[sflag:s10] =	ssyncset.done $0x0  }
0x1b: {  	[sflag:s10] =	ssyncadd.s32 $0xFFFFF100  }
0x1c: {  	[bflag:$0x0] =	sbarrier.arrive $0xFFFF  }
0x1d: {  	[tilespmem:s15], [sflag:$0x1] =	stream.indirect.gather [hbm4b:s4+s14], $0x30, s3, s14, $0xb8;
	[tilespmem:$0xE420] =	vst v63  }
0x1e: {  	s21 =	simm.s32 $0x50  }
0x1f: {  	[tilespmem:s16], [sflag:$0x2] =	stream.indirect.gather [hbm4b:s4+s14], $0x30, s21, s14, $0xb8;
	[tilespmem:$0xE420] =	vst v63  }
0x20: {  	_ =	swait.ge [sflag:s17], $0xF00  }
0x21: {  	[sflag:s17] =	ssyncset.done $0x0  }
0x22: {  	s29 =	simm.s32 $0x2710;
	[sflag:s17] =	ssyncadd.s32 $0xFFFFF100  }
0x23: {  	[spmem:s2] =	stream.indirect.scatter.add.f32 [tilespmem:s15], [sflag:$0x3], $0x30, s29, s14, $0xb8;
	[tilespmem:$0xE420] =	vst v63  }
0x24: {  	_ =	swait.ge [sflag:s10], $0xF00  }
0x25: {  	[sflag:s10] =	ssyncset.done $0x0  }
0x26: {  	s30 =	simm.s32 $0xA0;
	[sflag:s10] =	ssyncadd.s32 $0xFFFFF100  }
0x27: {  	[tilespmem:s15], [sflag:$0x1] =	stream.indirect.gather [hbm4b:s4+s14], $0x30, s30, s14, $0xb8;
	[tilespmem:$0xE420] =	vst v63  }
0x28: {  	_ =	swait.ge [sflag:s18], $0xF00  }
0x29: {  	[sflag:s18] =	ssyncset.done $0x0  }
0x2a: {  	s31 =	simm.s32 $0x2760;
	[sflag:s18] =	ssyncadd.s32 $0xFFFFF100  }
0x2b: {  	[spmem:s2] =	stream.indirect.scatter.add.f32 [tilespmem:s16], [sflag:$0x3], $0x30, s31, s14, $0xb8;
	[tilespmem:$0xE420] =	vst v63  }
0x2c: {  	_ =	swait.ge [sflag:s10], $0xF00  }
0x2d: {  	s22 =	simm.s32 $0x500;
	s21 =	simm.s32 $0xA0;
	[sflag:s10] =	ssyncset.done $0x0  }
.LBB2_2:
0x2e: {  	s23 =	sadd.s32 $0x50, s21  }
0x2f: {  	[sflag:s10] =	ssyncadd.s32 $0xFFFFF100;
	s24 =	smov.u32 s22;
	s25 =	sadd.s32 $0x280, s22  }
0x30: {  	[tilespmem:s16], [sflag:$0x2] =	stream.indirect.gather [hbm4b:s4+s14], $0x30, s23, s14, $0xb8;
	[tilespmem:$0xE420] =	vst v63  }
0x31: {  	p0 =	sne.s32 s22, $0x9880;
	_ =	swait.ge [sflag:s17], $0xF00  }
0x32: {  	[sflag:s17] =	ssyncset.done $0x0  }
0x33: {  	s22 =	sadd.s32 $0x2710, s21;
	[sflag:s17] =	ssyncadd.s32 $0xFFFFF100  }
0x34: {  	[spmem:s2] =	stream.indirect.scatter.add.f32 [tilespmem:s15], [sflag:$0x3], $0x30, s22, s14, $0xb8;
	[tilespmem:$0xE420] =	vst v63  }
0x35: {  	_ =	swait.ge [sflag:s10], $0xF00  }
0x36: {  	[sflag:s10] =	ssyncset.done $0x0  }
0x37: {  	s22 =	sadd.s32 $0xA0, s21;
	[sflag:s10] =	ssyncadd.s32 $0xFFFFF100  }
0x38: {  	[tilespmem:s15], [sflag:$0x1] =	stream.indirect.gather [hbm4b:s4+s14], $0x30, s22, s14, $0xb8;
	[tilespmem:$0xE420] =	vst v63  }
0x39: {  	_ =	swait.ge [sflag:s18], $0xF00  }
.Ltmp0:
0x3a: {  	[sflag:s18] =	ssyncset.done $0x0;
	(pc) =	sbr.rel @p0 .LBB2_2-.Ltmp0, $4  }
0x3b: {  	s21 =	sadd.s32 $0x2760, s21;
	[sflag:s18] =	ssyncadd.s32 $0xFFFFF100  }
0x3c: {  	[spmem:s2] =	stream.indirect.scatter.add.f32 [tilespmem:s16], [sflag:$0x3], $0x30, s21, s14, $0xb8;
	[tilespmem:$0xE420] =	vst v63  }
0x3d: {  	_ =	swait.ge [sflag:s10], $0xF00  }
0x3e: {  	s22 =	smov.u32 s25;
	s21 =	sshra.s32 s24, $0x2;
	[sflag:s10] =	ssyncset.done $0x0  }
0x3f: {  	s22 =	sadd.s32 $0x50, s21;
	[sflag:s10] =	ssyncadd.s32 $0xFFFFF100  }
0x40: {  	[tilespmem:s16], [sflag:$0x2] =	stream.indirect.gather [hbm4b:s4+s14], $0x30, s22, s14, $0xb8;
	[tilespmem:$0xE420] =	vst v63  }
0x41: {  	_ =	swait.ge [sflag:s17], $0xF00  }
0x42: {  	[sflag:s17] =	ssyncset.done $0x0  }
0x43: {  	s29 =	sadd.s32 $0x2710, s21;
	[sflag:s17] =	ssyncadd.s32 $0xFFFFF100  }
0x44: {  	[spmem:s2] =	stream.indirect.scatter.add.f32 [tilespmem:s15], [sflag:$0x3], $0x30, s29, s14, $0xb8;
	[tilespmem:$0xE420] =	vst v63  }
0x45: {  	_ =	swait.ge [sflag:s10], $0xF00  }
0x46: {  	[sflag:s10] =	ssyncset.done $0x0  }
0x47: {  	s30 =	sadd.s32 $0xA0, s21;
	[sflag:s10] =	ssyncadd.s32 $0xFFFFF100  }
0x48: {  	[tilespmem:s15], [sflag:$0x1] =	stream.indirect.gather [hbm4b:s4+s14], $0x30, s30, s14, $0xb8;
	[tilespmem:$0xE420] =	vst v63  }
0x49: {  	_ =	swait.ge [sflag:s18], $0xF00  }
0x4a: {  	[sflag:s18] =	ssyncset.done $0x0  }
0x4b: {  	s31 =	sadd.s32 $0x2760, s21;
	[sflag:s18] =	ssyncadd.s32 $0xFFFFF100  }
0x4c: {  	[spmem:s2] =	stream.indirect.scatter.add.f32 [tilespmem:s16], [sflag:$0x3], $0x30, s31, s14, $0xb8;
	[tilespmem:$0xE420] =	vst v63  }
0x4d: {  	_ =	swait.ge [sflag:s10], $0xF00  }
0x4e: {  	[sflag:s10] =	ssyncset.done $0x0  }
0x4f: {  	[sflag:s10] =	ssyncadd.s32 $0xFFFFF100  }
0x50: {  	_ =	swait.ge [sflag:s17], $0xF00  }
0x51: {  	[sflag:s17] =	ssyncset.done $0x0  }
0x52: {  	[sflag:s17] =	ssyncadd.s32 $0xFFFFF100  }
0x53: {  	[spmem:s2] =	stream.indirect.scatter.add.f32 [tilespmem:s15], [sflag:$0x3], $0x30, s19, s14, $0xb8;
	[tilespmem:$0xE420] =	vst v63  }
0x54: {  	_ =	swait.ge [sflag:s10], $0xF00  }
0x55: {  	s20 =	sadd.s32 $0x1, s20;
	[sflag:s10] =	ssyncset.done $0x0  }
0x56: {  	p0 =	sne.s32 s20, s9;
	[sflag:s10] =	ssyncadd.s32 $0xFFFFF100  }
.Ltmp1:
0x57: {  	[bflag:$0x0] =	sbarrier.arrive $0xFFFF;
	(pc) =	sbr.rel @p0 .LBB2_1-.Ltmp1, $4  }
0x58: {  	[hbm:s8], [sflag:s12] =	dma.local [spmem:s13], $0xF00  }
0x59: {  	_ =	swait.ge [sflag:s10], $0xF00  }
0x5a: {  	[sflag:s10] =	ssyncset.done $0x0  }
0x5b: {  	[sflag:s10] =	ssyncadd.s32 $0xFFFFF100  }
0x5c: {  	_ =	sfence.sel $0x180000  }
0x5d: {  	[bflag:$0x0] =	sbarrier.arrive $0xFFFF  }
0x5e: {  	p0 =	sne.s32 s0, $0x0;
	_ =	strace $0x9000004D  }
0x5f: {  	s0 =	sadd.s32 @!p0 $0x100000, s1;
	[bflag:$0x2] =	sbarrier.arrive $0xFFFF  }
0x60: {  	[sflag:s0] =	ssyncadd.tile.s32 @!p0 $0x1;
	_ =	shalt  }
.Lfunc_end2:
_tile_overlayer_lowered:
.L_overlay_start_2:
0x61: {  	(tag) =	ssettag $0x2  }
0x62: {  	s0 =	rddreg [dreg:$0x0];
	s2 =	stileid.u32  }
0x63: {  	s1 =	rddreg [dreg:$0x1];
	p0 =	sne.s32 s2, $0x0  }
0x64: {  	s3 =	rddreg [dreg:$0x2];
	[bflag:$0x3] =	sbarrier.arrive $0xFFFF;
	s2 =	simm.s32 @!p0 $0x1C03  }
0x65: {  	[timem:s3], [sflag:s2] =	dma.local @!p0 [hbm:s0], s1  }
0x66: {  	s0 =	simm.s32 @!p0 $0x3  }
0x67: {  	_ =	swait.ge @!p0 [sflag:s0], s1  }
0x68: {  	s1 =	ssub.s32 @!p0 $0x0, s1;
	[sflag:s0] =	ssyncset.done @!p0 $0x0  }
0x69: {  	[sflag:s0] =	ssyncadd.s32 @!p0 s1  }
0x6a: {  	[bflag:$0x3] =	sbarrier.arrive $0xFFFF  }
0x6b: {  	_ =	shalt  }

// kernel: kernel.7.cloned.1.call-start
scs
__scs_entry_jumppad:
0x0: {  	(pc) =	sbr.rel $0x88, $3  }
0x1: {  	(tag) =	ssettag $0x0;
	lr =	simm.s32 $0x1  }
0x2: {  	[smem:$0x3F99] =	sst lr;
	_ =	strace $0xD0000000  }
0x3: {  	_ = 	snop  }
0x4: {  	_ = 	snop  }
0x5: {  	_ = 	snop  }
0x6: {  	_ = 	snop  }
0x7: {  	_ = 	snop  }
__scs_overlays_trampoline_lowered:
0x8: {  	[smem:$0x3FA8] =	sst s0  }
0x9: {  	[smem:$0x3FA9] =	sst s1  }
0xa: {  	[smem:$0x3FAA] =	sst s2  }
0xb: {  	[smem:$0x3FAB] =	sst s3  }
0xc: {  	[smem:$0x3FAC] =	sst s4  }
0xd: {  	[smem:$0x3FAD] =	sst s5  }
0xe: {  	[smem:$0x3FAE] =	sst s6  }
0xf: {  	[smem:$0x3FAF] =	sst s7  }
0x10: {  	[smem:$0x3FB0] =	sst s8  }
0x11: {  	[smem:$0x3FB1] =	sst s9;
	s0 =	simm.s32 @!p0 $0x0  }
0x12: {  	s1 =	sld [smem:$0x3F97];
	s0 =	simm.s32 @p0 $0x1  }
0x13: {  	[smem:$0x3FB2] =	sst s0;
	s0 =	simm.s32 @!p1 $0x0  }
0x14: {  	s2 =	sld [smem:$0x3F96];
	s0 =	simm.s32 @p1 $0x1  }
0x15: {  	[smem:$0x3FB3] =	sst s0;
	s0 =	simm.s32 @!p2 $0x0  }
0x16: {  	s3 =	sld [smem:$0x3FDB];
	s0 =	simm.s32 @p2 $0x1  }
0x17: {  	s4 =	simm.s32 $0x1BF5;
	[smem:$0x3FB5] =	sst s0  }
0x18: {  	s0 =	sld [smem:$0x3F98];
	_ =	swait.ge [sflag:s4], $0x0  }
0x19: {  	s7 =	sld [smem:$0x3F99]  }
0x1a: {  	s8 =	sadd.s32 $0xFFFFE003, lr  }
0x1b: {  	s9 =	sadd.s32 $0xFFFFFEF7, lr;
	s5 =	simm.s32 $0xFFFFFFFF;
	p2 =	slt.u32 s8, $0xFFFFF086  }
0x1c: {  	p1 =	slt.u32 s9, $0xF7A;
	s5 =	simm.s32 @!p2 $0x0  }
0x1d: {  	s5 =	simm.s32 @p1 $0x1;
	p0 =	seq.s32 s7, s2  }
0x1e: {  	s7 =	smul.u32 @!p0 $0xF7A, s2;
	p2 =	seq.s32 @!p0 s5, $0x0  }
0x1f: {  	s9 =	smul.u32 $0xF7A, s1;
	s8 =	simm.s32 @!p0 $0x1BF5;
	p2 =	por !p2, p0  }
0x20: {  	[sflag:s8] =	ssyncset.s32 @!p0 $0xFFFFF086;
	s6 =	sadd.s32 @!p0 s3, s7;
	s7 =	simm.s32 @!p0 $0x108  }
0x21: {  	s3 =	sadd.s32 s3, s9;
	s6 =	sadd.s32 @!p0 $0x88, s6;
	s7 =	simm.s32 @p2 $0x1082  }
0x22: {  	[simem:s7], [sflag:s8] =	dma.local @!p0 [hbm:s6], $0xF7A  }
0x23: {  	s9 =	sor.u32 $0xD0000000, s2;
	s6 =	simm.s32 $0x108;
	_ =	swait.ge @!p0 [sflag:s8], $0x0  }
0x24: {  	s3 =	sadd.s32 $0x88, s3;
	s6 =	simm.s32 @!p1 $0x1082;
	[sflag:s4] =	ssyncset.s32 $0xFFFFF086  }
0x25: {  	[simem:s6], [sflag:s4] =	dma.local [hbm:s3], $0xF7A  }
0x26: {  	[smem:$0x3F99] =	sst s1;
	(tag) =	ssettag s2;
	_ =	strace s9  }
0x27: {  	s1 =	sld [smem:$0x3FA9]  }
0x28: {  	s2 =	sld [smem:$0x3FAA]  }
0x29: {  	s4 =	sld [smem:$0x3FAC]  }
0x2a: {  	p0 =	seq.s32 s5, $0x0;
	s5 =	sld [smem:$0x3FAD]  }
0x2b: {  	s6 =	sld [smem:$0x3FAE]  }
0x2c: {  	s7 =	sld [smem:$0x3FAF]  }
0x2d: {  	s3 =	simm.s32 $0x108;
	s8 =	sld [smem:$0x3FB0]  }
0x2e: {  	s3 =	simm.s32 @!p0 $0x1082;
	s9 =	sld [smem:$0x3FB1]  }
0x2f: {  	lr =	sadd.s32 s0, s3;
	s0 =	sld [smem:$0x3FA8]  }
0x30: {  	s3 =	sld [smem:$0x3FAB]  }
0x31: {  	[smem:$0x3FB4] =	sst s10  }
0x32: {  	s10 =	sld [smem:$0x3FB2];
	_ =	sdelay $0x3  }
0x33: {  	p0 =	seq.s32 s10, $0x1;
	s10 =	sld [smem:$0x3FB4];
	_ =	sdelay $0x3  }
0x34: {  	[smem:$0x3FB4] =	sst s10  }
0x35: {  	s10 =	sld [smem:$0x3FB3];
	_ =	sdelay $0x3  }
0x36: {  	p1 =	seq.s32 s10, $0x1;
	s10 =	sld [smem:$0x3FB4];
	_ =	sdelay $0x3  }
0x37: {  	[smem:$0x3FB4] =	sst s10  }
0x38: {  	s10 =	sld [smem:$0x3FB5]  }
0x39: {  	_ = 	snop;
	(pc) =	sbr.ind lr, $3  }
0x3a: {  	_ = 	snop  }
0x3b: {  	_ = 	snop  }
0x3c: {  	p2 =	seq.s32 s10, $0x1;
	s10 =	sld [smem:$0x3FB4]  }
0x3d: {  	_ =	shalt  }
0x3e: {  	_ =	shalt  }
0x3f: {  	_ =	shalt  }
0x40: {  	_ =	shalt  }
0x41: {  	_ =	shalt  }
0x42: {  	_ =	shalt  }
0x43: {  	_ =	shalt  }
0x44: {  	_ =	shalt  }
0x45: {  	_ =	shalt  }
0x46: {  	_ =	shalt  }
0x47: {  	_ =	shalt  }
0x48: {  	_ =	shalt  }
0x49: {  	_ =	shalt  }
0x4a: {  	_ =	shalt  }
0x4b: {  	_ =	shalt  }
0x4c: {  	_ =	shalt  }
0x4d: {  	_ =	shalt  }
0x4e: {  	_ =	shalt  }
0x4f: {  	_ =	shalt  }
0x50: {  	_ =	shalt  }
0x51: {  	_ =	shalt  }
0x52: {  	_ =	shalt  }
0x53: {  	_ =	shalt  }
0x54: {  	_ =	shalt  }
0x55: {  	_ =	shalt  }
0x56: {  	_ =	shalt  }
0x57: {  	_ =	shalt  }
0x58: {  	_ =	shalt  }
0x59: {  	_ =	shalt  }
0x5a: {  	_ =	shalt  }
0x5b: {  	_ =	shalt  }
0x5c: {  	_ =	shalt  }
0x5d: {  	_ =	shalt  }
0x5e: {  	_ =	shalt  }
0x5f: {  	_ =	shalt  }
0x60: {  	_ =	shalt  }
0x61: {  	_ =	shalt  }
0x62: {  	_ =	shalt  }
0x63: {  	_ =	shalt  }
0x64: {  	_ =	shalt  }
0x65: {  	_ =	shalt  }
0x66: {  	_ =	shalt  }
0x67: {  	_ =	shalt  }
0x68: {  	_ =	shalt  }
0x69: {  	_ =	shalt  }
0x6a: {  	_ =	shalt  }
0x6b: {  	_ =	shalt  }
0x6c: {  	_ =	shalt  }
0x6d: {  	_ =	shalt  }
0x6e: {  	_ =	shalt  }
0x6f: {  	_ =	shalt  }
0x70: {  	_ =	shalt  }
0x71: {  	_ =	shalt  }
0x72: {  	_ =	shalt  }
0x73: {  	_ =	shalt  }
0x74: {  	_ =	shalt  }
0x75: {  	_ =	shalt  }
0x76: {  	_ =	shalt  }
0x77: {  	_ =	shalt  }
0x78: {  	_ =	shalt  }
0x79: {  	_ =	shalt  }
0x7a: {  	_ =	shalt  }
0x7b: {  	_ =	shalt  }
0x7c: {  	_ =	shalt  }
0x7d: {  	_ =	shalt  }
0x7e: {  	_ =	shalt  }
0x7f: {  	_ =	shalt  }
0x80: {  	_ =	shalt  }
0x81: {  	_ =	shalt  }
0x82: {  	_ =	shalt  }
0x83: {  	_ =	shalt  }
0x84: {  	_ =	shalt  }
0x85: {  	_ =	shalt  }
0x86: {  	_ =	shalt  }
0x87: {  	_ =	shalt  }
.Lfunc_end0:
.L_simem_size_0:
called_computation_lowered:
.L_overlay_start_0:
0x88: {  	s2 =	sld [smem:$0x3FD9]  }
0x89: {  	s3 =	sld [smem:$0x3FFE];
	_ =	sdelay $0x1  }
0x8a: {  	s1 =	srdreg.scid  }
0x8b: {  	s0 =	sand.u32 $0x1, s1  }
0x8c: {  	s17 =	sshll.u32 s0, $0xA;
	s2 =	sadd.s32 s3, s2  }
0x8d: {  	s2 =	sadd.s32 s2, s17  }
0x8e: {  	[smem:$0x3FC0] =	sst s2  }
0x8f: {  	_ = 	snop  }
0x90: {  	s2 =	sld [smem:$0x3FC9];
	(tm) =	ssettm $0x1  }
0x91: {  	s18 =	sld [smem:$0x3FFB];
	_ =	sdelay $0x3  }
0x92: {  	_ =	strace s18  }
0x93: {  	s3 =	sld [smem:$0x3FFC];
	_ =	sdelay $0x3  }
0x94: {  	_ =	strace s3  }
0x95: {  	s3 =	sld [smem:$0x3FFD];
	_ =	sdelay $0x3  }
0x96: {  	_ =	strace s3  }
0x97: {  	_ =	strace $0x8FFFFFFF  }
0x98: {  	s19 =	sld [smem:$0x3FDB];
	_ =	sdelay $0x1  }
0x99: {  	s4 =	simm.s32 $_scs_section_size  }
0x9a: {  	s5 =	simm.s32 $_size__tile_overlayer_lowered;
	s6 =	simm.s32 $_tile_overlayer_lowered  }
0x9b: {  	s22 =	simm.s32 $0x1BFF;
	s21 =	sshll.u32 s6, $0x1;
	s3 =	sadd.s32 s4, s19  }
0x9c: {  	s7 =	simm.s32 $0x0;
	s20 =	sshll.u32 s5, $0x1;
	s5 =	sadd.s32 s21, s3  }
0x9d: {  	[timem:s7], [sflag:s22] =	dma.local [hbm:s5], s20  }
0x9e: {  	_ =	swait.ge [sflag:s22], s20  }
0x9f: {  	s4 =	ssub.s32 $0x0, s20;
	[sflag:s22] =	ssyncset.done $0x0  }
0xa0: {  	[sflag:s22] =	ssyncadd.s32 s4;
	_ =	sdelay $0x1  }
0xa1: {  	s23 =	simm.s32 $0x1B8B  }
0xa2: {  	_ =	swait.ge [sflag:s23], $0x1  }
0xa3: {  	[sflag:s23] =	ssyncset.done $0x0  }
0xa4: {  	s25 =	simm.s32 $0x1B8E;
	s24 =	sld [smem:$0x3FFE];
	[sflag:s23] =	ssyncadd.s32 $0xFFFFFFFF  }
0xa5: {  	s26 =	simm.s32 $execute0_lowered;
	[smem:$0x3FD2] =	sst s25  }
0xa6: {  	s5 =	sshll.u32 s26, $0x1;
	_ =	strace $0x80000046;
	[dreg:$0x1] =	wrdreg $0xFFFFFFFF  }
0xa7: {  	s28 =	simm.s32 $_size_execute0_lowered;
	s3 =	sadd.s32 s3, s5;
	[dreg:$0x0] =	wrdreg $0x0  }
0xa8: {  	s5 =	sshll.u32 s28, $0x1;
	[dreg:$0x2] =	wrdreg s3  }
0xa9: {  	[dreg:$0x3] =	wrdreg s5  }
0xaa: {  	[dreg:$0x4] =	wrdreg $0xC0  }
0xab: {  	_ =	task [dreg:s7], $0x5FFFF  }
0xac: {  	[dreg:$0x1] =	wrdreg $0xFFFFFFFF  }
0xad: {  	[dreg:$0x0] =	wrdreg $0x60  }
0xae: {  	[dreg:$0x2] =	wrdreg s2  }
0xaf: {  	[dreg:$0x3] =	wrdreg s24  }
0xb0: {  	[dreg:$0x4] =	wrdreg $0xB7800  }
0xb1: {  	[dreg:$0x5] =	wrdreg $0x9  }
0xb2: {  	_ =	task.clear_ibuf [dreg:s7], $0x6FFFF;
	_ =	strace $0x90000046  }
0xb3: {  	s29 =	simm.s32 $0x9;
	_ =	strace $0x80000048  }
0xb4: {  	_ =	swait.ge [sflag:s29], $0x1  }
0xb5: {  	[sflag:s29] =	ssyncadd.s32 $0xFFFFFFFF  }
0xb6: {  	_ =	strace $0x90000048  }
0xb7: {  	_ =	sfence  }
0xb8: {  	s30 =	sld [smem:$0x0];
	_ =	sdelay $0x2  }
0xb9: {  	s31 =	sshll.u32 s1, $0xD;
	s1 =	sshrl.u32 s1, $0x2  }
0xba: {  	s3 =	sand.u32 $0x4000, s31;
	s1 =	sadd.s32 s1, s30  }
0xbb: {  	s0 =	sor.u32 s3, s0;
	s1 =	sshll.u32 s1, $0x11  }
0xbc: {  	s0 =	sor.u32 s1, s0  }
0xbd: {  	s0 =	sadd.s32 $0x8F2B, s0  }
0xbe: {  	[sflag:s0] =	ssyncadd.remote.s32 $0x1  }
0xbf: {  	_ =	sfence.sel $0xFFFF  }
0xc0: {  	[dreg:$0x0] =	wrdreg $0xFFFFFFFF;
	(pc) =	sbr.abs _section_cstart, $3  }
0xc1: {  	[dreg:$0x1] =	wrdreg $0xFFFFFFFF  }
0xc2: {  	_ =	task.clear_ibuf [dreg:s7], $0x2FFFF;
	_ =	strace $0x9FFFFFFF  }
0xc3: {  	(tm) =	ssettm $0x7FFFFFFF  }
tec
execute0_lowered:
.L_overlay_start_1:
0x0: {  	(tag) =	ssettag $0x1  }
0x1: {  	s1 =	rddreg [dreg:$0x0]  }
0x2: {  	s7 =	rddreg [dreg:$0x1]  }
0x3: {  	s0 =	srdreg.scid;
	s3 =	rddreg [dreg:$0x2];
	s4 =	simm.s32 $0x0  }
0x4: {  	s13 =	simm.s32 $0x2780;
	s16 =	simm.s32 $0x50;
	s17 =	simm.s32 $0x6780  }
0x5: {  	s18 =	simm.s32 $0x8F80;
	s19 =	simm.s32 $0x1;
	s20 =	simm.s32 $0x2  }
0x6: {  	s21 =	simm.s32 $0x6580;
	s5 =	sand.u32 $0x1, s0;
	s0 =	stileid.u32  }
0x7: {  	s22 =	simm.s32 $0x0;
	[smem:$0x7FF] =	sst s4;
	s29 =	smul.u32 $0x14000, s0  }
0x8: {  	s2 =	sshll.u32 s5, $0x4;
	s9 =	sshll.u32 s0, $0x7;
	s10 =	smul.u32 $0x140000, s5  }
0x9: {  	s5 =	ssub.s32 $0x2, s5;
	s12 =	smul.u32 $0x50000, s0;
	s14 =	sshll.u32 s0, $0x6  }
0xa: {  	s6 =	sor.u32 s0, s2;
	s9 =	sand.u32 $0x380, s9;
	s30 =	sshrl.u32 s5, $0x1  }
0xb: {  	s14 =	sor.u32 $0x1C03, s14;
	s2 =	sshrl.u32 s6, $0x3;
	s6 =	sshll.u32 s6, $0xB  }
0xc: {  	s11 =	sshrl.u32 s29, $0x3;
	s31 =	sshrl.u32 s12, $0x2;
	s12 =	simm.s32 $0x3  }
0xd: {  	s8 =	smul.u32 $0x13C00, s2;
	s2 =	rddreg [dreg:$0x3];
	_ =	strace $0x80000047  }
0xe: {  	s6 =	sadd.s32 s6, s7;
	s11 =	sadd.s32 s11, s7;
	s15 =	sadd.s32 s31, s3  }
0xf: {  	s6 =	sadd.s32 $0x15C00, s6;
	s8 =	sor.u32 s9, s8;
	s9 =	sadd.s32 s29, s10  }
0x10: {  	s15 =	sshrl.u32 s15, $0x3;
	s8 =	sshrl.u32 s8, $0x3;
	s9 =	sshrl.u32 s9, $0x3  }
0x11: {  	s10 =	ssub.s32 s5, s30;
	s8 =	sadd.s32 s8, s7;
	s9 =	sadd.s32 s9, s7  }
0x12: {  	s7 =	sadd.s32 $0x2FA00, s11;
	s11 =	simm.s32 $0x400;
	s5 =	sadd.s32 $0x25C00, s8  }
0x13: {  	s8 =	sadd.s32 $0x57A00, s9;
	s9 =	smax.u32 s10, $0x1;
	s10 =	simm.s32 $0x80  }
.LBB2_1:
0x14: {  	[tilespmem:s4], [sflag:$0x3] =	stream.strided.gather [hbm4b:s5+s10], $0x2780, s11, s10, $0x38;
	[tilespmem:$0x1F780] =	vst v63  }
0x15: {  	_ =	swait.ge [sflag:s12], $0x2780  }
0x16: {  	[sflag:s12] =	ssyncset.done $0x0  }
0x17: {  	[sflag:s12] =	ssyncadd.s32 $0xFFFFD880  }
0x18: {  	[tilespmem:s13], [sflag:$0x3] =	stream.linear.gather [hbm4b:s6+s4], $0x3E80, $0x38;
	[tilespmem:$0x1F780] =	vst v63  }
0x19: {  	_ =	swait.ge [sflag:s12], $0x3E80  }
0x1a: {  	[sflag:s12] =	ssyncset.done $0x0  }
0x1b: {  	[sflag:s12] =	ssyncadd.s32 $0xFFFFC180  }
0x1c: {  	[spmem:s15], [sflag:s14] =	dma.local [hbm:s7], $0x2800  }
0x1d: {  	_ =	swait.ge [sflag:s12], $0x2800  }
0x1e: {  	[sflag:s12] =	ssyncset.done $0x0  }
0x1f: {  	[sflag:s12] =	ssyncadd.s32 $0xFFFFD800  }
0x20: {  	[bflag:$0x0] =	sbarrier.arrive $0xFFFF  }
0x21: {  	[tilespmem:s17], [sflag:$0x1] =	stream.indirect.gather [hbm4b:s1+s16], $0x80, s4, s16, $0xb8;
	[tilespmem:$0x1F780] =	vst v63  }
0x22: {  	s23 =	simm.s32 $0x50  }
0x23: {  	[tilespmem:s18], [sflag:$0x2] =	stream.indirect.gather [hbm4b:s1+s16], $0x80, s23, s16, $0xb8;
	[tilespmem:$0x1F780] =	vst v63  }
0x24: {  	_ =	swait.ge [sflag:s19], $0x2800  }
0x25: {  	[sflag:s19] =	ssyncset.done $0x0  }
0x26: {  	s29 =	simm.s32 $0x2780;
	[sflag:s19] =	ssyncadd.s32 $0xFFFFD800  }
0x27: {  	[spmem:s3] =	stream.indirect.scatter.add.f32 [tilespmem:s17], [sflag:$0x3], $0x80, s29, s16, $0xb8;
	[tilespmem:$0x1F780] =	vst v63  }
0x28: {  	_ =	swait.ge [sflag:s12], $0x2800  }
0x29: {  	[sflag:s12] =	ssyncset.done $0x0  }
0x2a: {  	s30 =	simm.s32 $0xA0;
	[sflag:s12] =	ssyncadd.s32 $0xFFFFD800  }
0x2b: {  	[tilespmem:s17], [sflag:$0x1] =	stream.indirect.gather [hbm4b:s1+s16], $0x80, s30, s16, $0xb8;
	[tilespmem:$0x1F780] =	vst v63  }
0x2c: {  	_ =	swait.ge [sflag:s20], $0x2800  }
0x2d: {  	[sflag:s20] =	ssyncset.done $0x0  }
0x2e: {  	s31 =	simm.s32 $0x2800;
	[sflag:s20] =	ssyncadd.s32 $0xFFFFD800  }
0x2f: {  	[spmem:s3] =	stream.indirect.scatter.add.f32 [tilespmem:s18], [sflag:$0x3], $0x80, s31, s16, $0xb8;
	[tilespmem:$0x1F780] =	vst v63  }
0x30: {  	s24 =	simm.s32 $0x400;
	_ =	swait.ge [sflag:s12], $0x2800  }
0x31: {  	s25 =	simm.s32 $0x800;
	s23 =	simm.s32 $0x140;
	[sflag:s12] =	ssyncset.done $0x0  }
.LBB2_2:
0x32: {  	p0 =	sne.s32 s25, $0xF400;
	s26 =	sadd.s32 $0xFFFFFFB0, s23;
	[sflag:s12] =	ssyncadd.s32 $0xFFFFD800  }
0x33: {  	[tilespmem:s18], [sflag:$0x2] =	stream.indirect.gather [hbm4b:s1+s16], $0x80, s26, s16, $0xb8;
	[tilespmem:$0x1F780] =	vst v63  }
0x34: {  	s26 =	smov.u32 s25;
	s25 =	sadd.s32 $0x400, s25;
	_ =	swait.ge [sflag:s19], $0x2800  }
0x35: {  	s28 =	sshra.s32 s24, $0x2;
	s24 =	smov.u32 s26;
	[sflag:s19] =	ssyncset.done $0x0  }
0x36: {  	s26 =	sadd.s32 $0x2780, s28;
	[sflag:s19] =	ssyncadd.s32 $0xFFFFD800  }
0x37: {  	[spmem:s3] =	stream.indirect.scatter.add.f32 [tilespmem:s17], [sflag:$0x3], $0x80, s26, s16, $0xb8;
	[tilespmem:$0x1F780] =	vst v63  }
0x38: {  	_ =	swait.ge [sflag:s12], $0x2800  }
0x39: {  	[sflag:s12] =	ssyncset.done $0x0  }
0x3a: {  	[sflag:s12] =	ssyncadd.s32 $0xFFFFD800  }
0x3b: {  	[tilespmem:s17], [sflag:$0x1] =	stream.indirect.gather [hbm4b:s1+s16], $0x80, s23, s16, $0xb8;
	[tilespmem:$0x1F780] =	vst v63  }
0x3c: {  	_ =	swait.ge [sflag:s20], $0x2800  }
.Ltmp0:
0x3d: {  	[sflag:s20] =	ssyncset.done $0x0;
	(pc) =	sbr.rel @p0 .LBB2_2-.Ltmp0, $4  }
0x3e: {  	s26 =	sadd.s32 $0x2800, s28;
	[sflag:s20] =	ssyncadd.s32 $0xFFFFD800  }
0x3f: {  	[spmem:s3] =	stream.indirect.scatter.add.f32 [tilespmem:s18], [sflag:$0x3], $0x80, s26, s16, $0xb8;
	[tilespmem:$0x1F780] =	vst v63  }
0x40: {  	_ =	swait.ge [sflag:s12], $0x2800  }
0x41: {  	s23 =	sadd.s32 $0xA0, s23;
	[sflag:s12] =	ssyncset.done $0x0  }
0x42: {  	s25 =	sadd.s32 $0xFFFFFFB0, s23;
	[sflag:s12] =	ssyncadd.s32 $0xFFFFD800  }
0x43: {  	[tilespmem:s18], [sflag:$0x2] =	stream.indirect.gather [hbm4b:s1+s16], $0x80, s25, s16, $0xb8;
	[tilespmem:$0x1F780] =	vst v63  }
0x44: {  	_ =	swait.ge [sflag:s19], $0x2800  }
0x45: {  	s24 =	sshra.s32 s24, $0x2;
	[sflag:s19] =	ssyncset.done $0x0  }
0x46: {  	s30 =	sadd.s32 $0x2780, s24;
	[sflag:s19] =	ssyncadd.s32 $0xFFFFD800  }
0x47: {  	[spmem:s3] =	stream.indirect.scatter.add.f32 [tilespmem:s17], [sflag:$0x3], $0x80, s30, s16, $0xb8;
	[tilespmem:$0x1F780] =	vst v63  }
0x48: {  	_ =	swait.ge [sflag:s12], $0x2800  }
0x49: {  	[sflag:s12] =	ssyncset.done $0x0  }
0x4a: {  	[sflag:s12] =	ssyncadd.s32 $0xFFFFD800  }
0x4b: {  	[tilespmem:s17], [sflag:$0x1] =	stream.indirect.gather [hbm4b:s1+s16], $0x80, s23, s16, $0xb8;
	[tilespmem:$0x1F780] =	vst v63  }
0x4c: {  	_ =	swait.ge [sflag:s20], $0x2800  }
0x4d: {  	[sflag:s20] =	ssyncset.done $0x0  }
0x4e: {  	s31 =	sadd.s32 $0x2800, s24;
	[sflag:s20] =	ssyncadd.s32 $0xFFFFD800  }
0x4f: {  	[spmem:s3] =	stream.indirect.scatter.add.f32 [tilespmem:s18], [sflag:$0x3], $0x80, s31, s16, $0xb8;
	[tilespmem:$0x1F780] =	vst v63  }
0x50: {  	_ =	swait.ge [sflag:s12], $0x2800  }
0x51: {  	[sflag:s12] =	ssyncset.done $0x0  }
0x52: {  	[sflag:s12] =	ssyncadd.s32 $0xFFFFD800  }
0x53: {  	_ =	swait.ge [sflag:s19], $0x2800  }
0x54: {  	[sflag:s19] =	ssyncset.done $0x0  }
0x55: {  	[sflag:s19] =	ssyncadd.s32 $0xFFFFD800  }
0x56: {  	[spmem:s3] =	stream.indirect.scatter.add.f32 [tilespmem:s17], [sflag:$0x3], $0x80, s21, s16, $0xb8;
	[tilespmem:$0x1F780] =	vst v63  }
0x57: {  	_ =	swait.ge [sflag:s12], $0x2800  }
0x58: {  	s22 =	sadd.s32 $0x1, s22;
	[sflag:s12] =	ssyncset.done $0x0  }
0x59: {  	p0 =	sne.s32 s22, s9;
	[sflag:s12] =	ssyncadd.s32 $0xFFFFD800  }
.Ltmp1:
0x5a: {  	[bflag:$0x0] =	sbarrier.arrive $0xFFFF;
	(pc) =	sbr.rel @p0 .LBB2_1-.Ltmp1, $4  }
0x5b: {  	[hbm:s8], [sflag:s14] =	dma.local [spmem:s15], $0x2800  }
0x5c: {  	_ =	swait.ge [sflag:s12], $0x2800  }
0x5d: {  	[sflag:s12] =	ssyncset.done $0x0  }
0x5e: {  	[sflag:s12] =	ssyncadd.s32 $0xFFFFD800  }
0x5f: {  	_ =	sfence.sel $0x180000  }
0x60: {  	[bflag:$0x0] =	sbarrier.arrive $0xFFFF  }
0x61: {  	p0 =	sne.s32 s0, $0x0;
	_ =	strace $0x90000047  }
0x62: {  	s0 =	sadd.s32 @!p0 $0x100000, s2;
	[bflag:$0x2] =	sbarrier.arrive $0xFFFF  }
0x63: {  	[sflag:s0] =	ssyncadd.tile.s32 @!p0 $0x1;
	_ =	shalt  }
.Lfunc_end2:
_tile_overlayer_lowered:
.L_overlay_start_2:
0x64: {  	(tag) =	ssettag $0x2  }
0x65: {  	s0 =	rddreg [dreg:$0x0];
	s2 =	stileid.u32  }
0x66: {  	s1 =	rddreg [dreg:$0x1];
	p0 =	sne.s32 s2, $0x0  }
0x67: {  	s3 =	rddreg [dreg:$0x2];
	[bflag:$0x3] =	sbarrier.arrive $0xFFFF;
	s2 =	simm.s32 @!p0 $0x1C03  }
0x68: {  	[timem:s3], [sflag:s2] =	dma.local @!p0 [hbm:s0], s1  }
0x69: {  	s0 =	simm.s32 @!p0 $0x3  }
0x6a: {  	_ =	swait.ge @!p0 [sflag:s0], s1  }
0x6b: {  	s1 =	ssub.s32 @!p0 $0x0, s1;
	[sflag:s0] =	ssyncset.done @!p0 $0x0  }
0x6c: {  	[sflag:s0] =	ssyncadd.s32 @!p0 s1  }
0x6d: {  	[bflag:$0x3] =	sbarrier.arrive $0xFFFF  }
0x6e: {  	_ =	shalt  }

</sc_bundles>
